<compile_context>
chip_gen: v7x
topology: tpu7x:2x2x1
jax: 0.10.2.dev20260603
libtpu: 0.0.44.dev20260713+nightly
codegen_flags: <defaults>
</compile_context>

<pallas_src>
import functools

import jax
import jax.numpy as jnp
from jax import lax
from jax.experimental import pallas as pl
from jax.experimental.pallas import tpu as pltpu
from jax.experimental.pallas import tpu_sc as plsc

N_ATOMS = 50000
N_EDGES = 1600000
N_FEATURES = 128
N_BASIS = 16
CUTOFF = 5.0

_DELTA = CUTOFF / (N_BASIS - 1)
_GAMMA = 1.0 / (2.0 * _DELTA * _DELTA)

_NC, _NS = 2, 16
_NW = _NC * _NS
_B_PER_W = 1568
_N_CHUNK = 4
_CHUNK = _B_PER_W // _N_CHUNK
_LAST_TOTAL = N_ATOMS - (_NW - 1) * _B_PER_W
_TAIL = _LAST_TOTAL - (_N_CHUNK - 1) * _CHUNK


@functools.partial(
    pl.kernel,
    out_type=jax.ShapeDtypeStruct((N_ATOMS, N_FEATURES), jnp.float32),
    mesh=plsc.VectorSubcoreMesh(core_axis_name="c", subcore_axis_name="s"),
    scratch_types=[
        pltpu.VMEM_SHARED((119, N_FEATURES), jnp.float32),
        pltpu.VMEM((_B_PER_W,), jnp.int32),
        pltpu.VMEM((_CHUNK, N_FEATURES), jnp.float32),
        pltpu.VMEM((_CHUNK, N_FEATURES), jnp.float32),
        pltpu.SemaphoreType.DMA,
        pltpu.SemaphoreType.DMA,
    ],
)
def _gather_kernel(table_hbm, idx_hbm, out_hbm, table_v, idx_v, rows0, rows1,
                   sem0, sem1):
    wid = lax.axis_index("s") * _NC + lax.axis_index("c")

    @pl.when(lax.axis_index("s") == 0)
    def _load_table():
        pltpu.sync_copy(table_hbm, table_v)

    plsc.subcore_barrier()
    base = wid * _B_PER_W
    last = wid == _NW - 1
    not_last = wid < _NW - 1

    @pl.when(not_last)
    def _idx_full():
        pltpu.sync_copy(idx_hbm.at[pl.ds(base, _B_PER_W)], idx_v)

    @pl.when(last)
    def _idx_tail():
        pltpu.sync_copy(idx_hbm.at[pl.ds(base, _LAST_TOTAL)],
                        idx_v.at[pl.ds(0, _LAST_TOTAL)])

    bufs = (rows0, rows1)
    sems = (sem0, sem1)

    def _branched(c, full, tail):
        if c < _N_CHUNK - 1:
            full()
        else:
            pl.when(not_last)(full)
            pl.when(last)(tail)

    def _gather_desc(c, size):
        b = c % 2
        return (table_v.at[idx_v.at[pl.ds(c * _CHUNK, size)]],
                bufs[b].at[pl.ds(0, size)], sems[b])

    def start(c):
        def _full():
            pltpu.async_copy(*_gather_desc(c, _CHUNK))

        def _tail():
            pltpu.async_copy(*_gather_desc(c, _TAIL))

        _branched(c, _full, _tail)

    def finish(c):
        b = c % 2

        def _fin(size):
            pltpu.make_async_copy(*_gather_desc(c, size)).wait()
            pltpu.sync_copy(bufs[b].at[pl.ds(0, size)],
                            out_hbm.at[pl.ds(base + c * _CHUNK, size)])

        def _full():
            _fin(_CHUNK)

        def _tail():
            _fin(_TAIL)

        _branched(c, _full, _tail)

    start(0)
    for c in range(_N_CHUNK):
        if c + 1 < _N_CHUNK:
            start(c + 1)
        finish(c)


_BT = 64000
_GRID = N_EDGES // _BT
_BZ = (-(-N_ATOMS // _GRID) + 7) // 8 * 8


def _edge_body(dispT_ref, dirT_ref, distT_ref, zf_ref, zd_ref):
    x = dispT_ref[0:1, :]
    y = dispT_ref[1:2, :]
    z = dispT_ref[2:3, :]
    n2 = x * x + y * y + z * z + 1e-12
    inv = lax.rsqrt(n2)
    dist = n2 * inv
    dirT_ref[0:1, :] = x * inv
    dirT_ref[1:2, :] = y * inv
    dirT_ref[2:3, :] = z * inv
    cut = 0.5 * (jnp.cos((jnp.pi / CUTOFF) * dist) + 1.0)
    cut = jnp.where(dist < CUTOFF, cut, 0.0)
    centers = lax.broadcasted_iota(jnp.int32, (N_BASIS, 1), 0).astype(
        jnp.float32) * _DELTA
    diff = dist - centers
    distT_ref[...] = cut * jnp.exp(-_GAMMA * (diff * diff))
    zf_ref[...] = jnp.zeros((3, _BZ, N_FEATURES), jnp.float32)
    zd_ref[...] = jnp.zeros((3, _BZ, N_FEATURES), jnp.float32)


_edge_call = pl.pallas_call(
    _edge_body,
    grid=(N_EDGES // _BT,),
    in_specs=[pl.BlockSpec((3, _BT), lambda i: (0, i))],
    out_specs=[
        pl.BlockSpec((3, _BT), lambda i: (0, i)),
        pl.BlockSpec((N_BASIS, _BT), lambda i: (0, i)),
        pl.BlockSpec((3, _BZ, N_FEATURES), lambda i: (0, i, 0)),
        pl.BlockSpec((3, _BZ, N_FEATURES), lambda i: (0, i, 0)),
    ],
    out_shape=[
        jax.ShapeDtypeStruct((3, N_EDGES), jnp.float32),
        jax.ShapeDtypeStruct((N_BASIS, N_EDGES), jnp.float32),
        jax.ShapeDtypeStruct((3, N_ATOMS, N_FEATURES), jnp.float32),
        jax.ShapeDtypeStruct((3, N_ATOMS, N_FEATURES), jnp.float32),
    ],
)


def kernel(z, disp, node_table):
    atom_node = _gather_kernel(node_table, z.astype(jnp.int32))
    dirT, distT, zf, zd = _edge_call(disp.T)
    dir_edge = dirT.T
    dist_edge = distT.T
    force_node = jnp.transpose(zf, (1, 0, 2))
    disp_node = jnp.transpose(zd, (1, 0, 2))
    return (atom_node, force_node, disp_node, dir_edge, dist_edge)

# --- scband reference (transcript-rebuilt; emitter-appended) ---
"""Pipeline reference for scband-embedding-net-46548855554171 (READ-ONLY COPY).

The authoritative reference and input builder live on the scoring server;
editing this copy changes nothing except your own understanding.
"""

import jax, jax.numpy as jnp
import numpy as np

N_ATOMS = 50000
N_EDGES = 1600000
N_FEATURES = 128
N_BASIS = 16
CUTOFF = 5.0


def setup_inputs(seed: int = 0) -> dict:
    key = jax.random.key(seed)
    k1, k2, k3 = jax.random.split(key, 3)
    z = jax.random.randint(k1, (N_ATOMS,), 0, 119)
    disp = jax.random.normal(k2, (N_EDGES, 3), dtype=jnp.float32)
    node_table = jax.random.normal(k3, (119, N_FEATURES), dtype=jnp.float32) * 0.02
    node_table = node_table.at[0].set(0.0)  # padding_idx = 0
    return {"z": z, "disp": disp, "node_table": node_table}


def _norm(disp):
    # returns (dist [E], direction [E, 3])
    dist = jnp.sqrt(jnp.sum(disp * disp, axis=-1) + 1e-12)
    direction = disp / dist[:, None]
    return dist, direction


def _cosine_cutoff(dist):
    c = 0.5 * (jnp.cos(jnp.pi * dist / CUTOFF) + 1.0)
    c = jnp.where(dist < CUTOFF, c, 0.0)
    return c[:, None]  # [E, 1]


def _radial(dist):
    centers = jnp.linspace(0.0, CUTOFF, N_BASIS)
    delta = CUTOFF / (N_BASIS - 1)
    gamma = 1.0 / (2.0 * delta * delta)
    return jnp.exp(-gamma * (dist[:, None] - centers[None, :]) ** 2)  # [E, n_basis]


def reference(z, disp, node_table):
    # atom_node = self.node_embedding(z)
    atom_node = jnp.take(node_table, z, axis=0)  # [N, n_features]
    # force_node / disp_node zeros buffers
    force_node = jnp.zeros((z.shape[0], 3, N_FEATURES), dtype=disp.dtype)
    disp_node = jnp.zeros((z.shape[0], 3, N_FEATURES), dtype=disp.dtype)
    # dist_edge, dir_edge = self.norm(disp)
    dist_scalar, dir_edge = _norm(disp)
    # dist_edge = self.cutoff(dist_edge) * self.edge_embedding(dist_edge)
    dist_edge = _cosine_cutoff(dist_scalar) * _radial(dist_scalar)  # [E, n_basis]
    return (atom_node, force_node, disp_node, dir_edge, dist_edge)

if __name__ == "__main__":
    import jax
    _d = setup_inputs()
    print(jax.jit(kernel)(*tuple(_d.values())))

</pallas_src>

<mosaic_0001>
#map = affine_map<(d0, d1) -> (0, 0)>
#map1 = affine_map<(d0, d1) -> (0)>
module attributes {stable_mosaic.version = 14 : i64} {
  func.func @_gather_kernel(%arg0: i32, %arg1: i32, %arg2: memref<119x128xf32, #tpu.memory_space<hbm>>, %arg3: memref<50000xi32, #tpu.memory_space<hbm>>, %arg4: memref<50000x128xf32, #tpu.memory_space<hbm>>, %arg5: memref<119x128xf32, #tpu.memory_space<vmem_shared>>, %arg6: memref<1568xi32, #tpu.memory_space<vmem>>, %arg7: memref<392x128xf32, #tpu.memory_space<vmem>>, %arg8: memref<392x128xf32, #tpu.memory_space<vmem>>, %arg9: memref<!tpu.dma_semaphore, #tpu.memory_space<semaphore_mem>>, %arg10: memref<!tpu.dma_semaphore, #tpu.memory_space<semaphore_mem>>) attributes {dimension_semantics = [#tpu.dimension_semantics<core_parallel>, #tpu.dimension_semantics<subcore_parallel>], iteration_bounds = array<i64: 2, 16>, scalar_prefetch = 0 : i64, scratch_operands = 6 : i64, tpu.core_type = #tpu.core_type<sc_vector_subcore>, window_params = [{transform_indices = #map}, {transform_indices = #map1}, {transform_indices = #map}]} {
    %mul3A = arith.constant 2 : i32
    %mul3A_0 = arith.muli %arg1, %mul3A : i32
    %add3A = arith.addi %mul3A_0, %arg0 : i32
    %eq3A = arith.constant 0 : i32
    %eq3A_1 = arith.cmpi eq, %arg1, %eq3A : i32
    %convert_element_type3A = arith.extui %eq3A_1 : i1 to i32
    %cond3A = arith.constant 0 : i32
    %cond3A_2 = arith.cmpi ne, %convert_element_type3A, %cond3A : i32
    scf.if %cond3A_2 {
      "tpu.region"() ({
        %run_scoped3A = tpu.sem_alloc : memref<!tpu.dma_semaphore, #tpu.memory_space<semaphore_mem>>
        tpu.enqueue_dma source(%arg2 : memref<119x128xf32, #tpu.memory_space<hbm>>) target(%arg5 : memref<119x128xf32, #tpu.memory_space<vmem_shared>>) target_semaphore(%run_scoped3A : memref<!tpu.dma_semaphore, #tpu.memory_space<semaphore_mem>>)
        tpu.wait_dma2 semaphore(%run_scoped3A : memref<!tpu.dma_semaphore, #tpu.memory_space<semaphore_mem>>) src(%arg2 : memref<119x128xf32, #tpu.memory_space<hbm>>) dst(%arg5 : memref<119x128xf32, #tpu.memory_space<vmem_shared>>)
        tpu.yield
      }) : () -> ()
    } else {
    }
    %barrier3A = arith.constant 0 : index
    tpu.barrier barrier_id(%barrier3A)
    %mul3A_3 = arith.constant 1568 : i32
    %mul3A_4 = arith.muli %add3A, %mul3A_3 : i32
    %eq3A_5 = arith.constant 31 : i32
    %eq3A_6 = arith.cmpi eq, %add3A, %eq3A_5 : i32
    %lt3A = arith.constant 31 : i32
    %lt3A_7 = arith.cmpi slt, %add3A, %lt3A : i32
    %convert_element_type3A_8 = arith.extui %lt3A_7 : i1 to i32
    %cond3A_9 = arith.constant 0 : i32
    %cond3A_10 = arith.cmpi ne, %convert_element_type3A_8, %cond3A_9 : i32
    scf.if %cond3A_10 {
      "tpu.region"() ({
        %run_scoped3A = tpu.sem_alloc : memref<!tpu.dma_semaphore, #tpu.memory_space<semaphore_mem>>
        %dma_start3A_78 = tpu.memref_slice %arg3[%mul3A_4] : memref<50000xi32, #tpu.memory_space<hbm>> -> memref<1568xi32, #tpu.memory_space<hbm>>
        %dma_start3A_79 = tpu.memref_slice %arg3[%mul3A_4] : memref<50000xi32, #tpu.memory_space<hbm>> -> memref<1568xi32, #tpu.memory_space<hbm>>
        tpu.enqueue_dma source(%dma_start3A_79 : memref<1568xi32, #tpu.memory_space<hbm>>) target(%arg6 : memref<1568xi32, #tpu.memory_space<vmem>>) target_semaphore(%run_scoped3A : memref<!tpu.dma_semaphore, #tpu.memory_space<semaphore_mem>>)
        %dma_wait3A_80 = tpu.memref_slice %arg3[%mul3A_4] : memref<50000xi32, #tpu.memory_space<hbm>> -> memref<1568xi32, #tpu.memory_space<hbm>>
        %dma_wait3A_81 = tpu.memref_slice %arg3[%mul3A_4] : memref<50000xi32, #tpu.memory_space<hbm>> -> memref<1568xi32, #tpu.memory_space<hbm>>
        tpu.wait_dma2 semaphore(%run_scoped3A : memref<!tpu.dma_semaphore, #tpu.memory_space<semaphore_mem>>) src(%dma_wait3A_81 : memref<1568xi32, #tpu.memory_space<hbm>>) dst(%arg6 : memref<1568xi32, #tpu.memory_space<vmem>>)
        tpu.yield
      }) : () -> ()
    } else {
    }
    %convert_element_type3A_11 = arith.extui %eq3A_6 : i1 to i32
    %cond3A_12 = arith.constant 0 : i32
    %cond3A_13 = arith.cmpi ne, %convert_element_type3A_11, %cond3A_12 : i32
    scf.if %cond3A_13 {
      "tpu.region"() ({
        %run_scoped3A = tpu.sem_alloc : memref<!tpu.dma_semaphore, #tpu.memory_space<semaphore_mem>>
        %dma_start3A_78 = arith.constant 0 : i32
        %dma_start3A_79 = tpu.memref_slice %arg6[%dma_start3A_78] : memref<1568xi32, #tpu.memory_space<vmem>> -> memref<1392xi32, #tpu.memory_space<vmem>>
        %dma_start3A_80 = tpu.memref_slice %arg3[%mul3A_4] : memref<50000xi32, #tpu.memory_space<hbm>> -> memref<1392xi32, #tpu.memory_space<hbm>>
        %dma_start3A_81 = arith.constant 0 : i32
        %dma_start3A_82 = tpu.memref_slice %arg6[%dma_start3A_81] : memref<1568xi32, #tpu.memory_space<vmem>> -> memref<1392xi32, #tpu.memory_space<vmem>>
        %dma_start3A_83 = tpu.memref_slice %arg3[%mul3A_4] : memref<50000xi32, #tpu.memory_space<hbm>> -> memref<1392xi32, #tpu.memory_space<hbm>>
        tpu.enqueue_dma source(%dma_start3A_83 : memref<1392xi32, #tpu.memory_space<hbm>>) target(%dma_start3A_82 : memref<1392xi32, #tpu.memory_space<vmem>>) target_semaphore(%run_scoped3A : memref<!tpu.dma_semaphore, #tpu.memory_space<semaphore_mem>>)
        %dma_wait3A_84 = arith.constant 0 : i32
        %dma_wait3A_85 = tpu.memref_slice %arg6[%dma_wait3A_84] : memref<1568xi32, #tpu.memory_space<vmem>> -> memref<1392xi32, #tpu.memory_space<vmem>>
        %dma_wait3A_86 = tpu.memref_slice %arg3[%mul3A_4] : memref<50000xi32, #tpu.memory_space<hbm>> -> memref<1392xi32, #tpu.memory_space<hbm>>
        %dma_wait3A_87 = arith.constant 0 : i32
        %dma_wait3A_88 = tpu.memref_slice %arg6[%dma_wait3A_87] : memref<1568xi32, #tpu.memory_space<vmem>> -> memref<1392xi32, #tpu.memory_space<vmem>>
        %dma_wait3A_89 = tpu.memref_slice %arg3[%mul3A_4] : memref<50000xi32, #tpu.memory_space<hbm>> -> memref<1392xi32, #tpu.memory_space<hbm>>
        tpu.wait_dma2 semaphore(%run_scoped3A : memref<!tpu.dma_semaphore, #tpu.memory_space<semaphore_mem>>) src(%dma_wait3A_89 : memref<1392xi32, #tpu.memory_space<hbm>>) dst(%dma_wait3A_88 : memref<1392xi32, #tpu.memory_space<vmem>>)
        tpu.yield
      }) : () -> ()
    } else {
    }
    %dma_start3A = arith.constant 0 : i32
    %dma_start3A_14 = arith.constant 0 : i32
    %dma_start3A_15 = tpu.memref_slice %arg7[%dma_start3A, %dma_start3A_14] : memref<392x128xf32, #tpu.memory_space<vmem>> -> memref<392x128xf32, #tpu.memory_space<vmem>>
    %dma_start3A_16 = arith.constant 0 : i32
    %dma_start3A_17 = tpu.memref_slice %arg6[%dma_start3A_16] : memref<1568xi32, #tpu.memory_space<vmem>> -> memref<392xi32, #tpu.memory_space<vmem>>
    %dma_start3A_18 = arith.constant 0 : i32
    %dma_start3A_19 = arith.constant 0 : i32
    %dma_start3A_20 = tpu.memref_slice %arg5[%dma_start3A_18, %dma_start3A_19] : memref<119x128xf32, #tpu.memory_space<vmem_shared>> -> memref<119x128xf32, #tpu.memory_space<vmem_shared>>
    tpu.enqueue_indirect_dma source(%dma_start3A_20 : memref<119x128xf32, #tpu.memory_space<vmem_shared>>) target(%dma_start3A_15 : memref<392x128xf32, #tpu.memory_space<vmem>>) offsets(%dma_start3A_17 : memref<392xi32, #tpu.memory_space<vmem>>) semaphore(%arg9 : memref<!tpu.dma_semaphore, #tpu.memory_space<semaphore_mem>>)
    %dma_start3A_21 = arith.constant 0 : i32
    %dma_start3A_22 = arith.constant 0 : i32
    %dma_start3A_23 = tpu.memref_slice %arg8[%dma_start3A_21, %dma_start3A_22] : memref<392x128xf32, #tpu.memory_space<vmem>> -> memref<392x128xf32, #tpu.memory_space<vmem>>
    %dma_start3A_24 = arith.constant 392 : i32
    %dma_start3A_25 = tpu.memref_slice %arg6[%dma_start3A_24] : memref<1568xi32, #tpu.memory_space<vmem>> -> memref<392xi32, #tpu.memory_space<vmem>>
    %dma_start3A_26 = arith.constant 0 : i32
    %dma_start3A_27 = arith.constant 0 : i32
    %dma_start3A_28 = tpu.memref_slice %arg5[%dma_start3A_26, %dma_start3A_27] : memref<119x128xf32, #tpu.memory_space<vmem_shared>> -> memref<119x128xf32, #tpu.memory_space<vmem_shared>>
    tpu.enqueue_indirect_dma source(%dma_start3A_28 : memref<119x128xf32, #tpu.memory_space<vmem_shared>>) target(%dma_start3A_23 : memref<392x128xf32, #tpu.memory_space<vmem>>) offsets(%dma_start3A_25 : memref<392xi32, #tpu.memory_space<vmem>>) semaphore(%arg10 : memref<!tpu.dma_semaphore, #tpu.memory_space<semaphore_mem>>)
    %dma_wait3A = arith.constant 0 : i32
    %dma_wait3A_29 = arith.constant 0 : i32
    %dma_wait3A_30 = tpu.memref_slice %arg7[%dma_wait3A, %dma_wait3A_29] : memref<392x128xf32, #tpu.memory_space<vmem>> -> memref<392x128xf32, #tpu.memory_space<vmem>>
    %dma_wait3A_31 = arith.constant 0 : i32
    %dma_wait3A_32 = tpu.memref_slice %arg6[%dma_wait3A_31] : memref<1568xi32, #tpu.memory_space<vmem>> -> memref<392xi32, #tpu.memory_space<vmem>>
    %dma_wait3A_33 = arith.constant 0 : i32
    %dma_wait3A_34 = arith.constant 0 : i32
    %dma_wait3A_35 = tpu.memref_slice %arg5[%dma_wait3A_33, %dma_wait3A_34] : memref<119x128xf32, #tpu.memory_space<vmem_shared>> -> memref<119x128xf32, #tpu.memory_space<vmem_shared>>
    tpu.wait_indirect_dma semaphore(%arg9 : memref<!tpu.dma_semaphore, #tpu.memory_space<semaphore_mem>>) src(%dma_wait3A_35 : memref<119x128xf32, #tpu.memory_space<vmem_shared>>) dst(%dma_wait3A_30 : memref<392x128xf32, #tpu.memory_space<vmem>>)
    %add3A_36 = arith.constant 0 : i32
    %add3A_37 = arith.addi %mul3A_4, %add3A_36 : i32
    "tpu.region"() ({
      %run_scoped3A = tpu.sem_alloc : memref<!tpu.dma_semaphore, #tpu.memory_space<semaphore_mem>>
      %dma_start3A_78 = arith.constant 0 : i32
      %dma_start3A_79 = arith.constant 0 : i32
      %dma_start3A_80 = tpu.memref_slice %arg7[%dma_start3A_78, %dma_start3A_79] : memref<392x128xf32, #tpu.memory_space<vmem>> -> memref<392x128xf32, #tpu.memory_space<vmem>>
      %dma_start3A_81 = arith.constant 0 : i32
      %dma_start3A_82 = tpu.memref_slice %arg4[%add3A_37, %dma_start3A_81] : memref<50000x128xf32, #tpu.memory_space<hbm>> -> memref<392x128xf32, #tpu.memory_space<hbm>>
      %dma_start3A_83 = arith.constant 0 : i32
      %dma_start3A_84 = tpu.memref_slice %arg4[%add3A_37, %dma_start3A_83] : memref<50000x128xf32, #tpu.memory_space<hbm>> -> memref<392x128xf32, #tpu.memory_space<hbm>>
      %dma_start3A_85 = arith.constant 0 : i32
      %dma_start3A_86 = arith.constant 0 : i32
      %dma_start3A_87 = tpu.memref_slice %arg7[%dma_start3A_85, %dma_start3A_86] : memref<392x128xf32, #tpu.memory_space<vmem>> -> memref<392x128xf32, #tpu.memory_space<vmem>>
      tpu.enqueue_dma source(%dma_start3A_87 : memref<392x128xf32, #tpu.memory_space<vmem>>) target(%dma_start3A_84 : memref<392x128xf32, #tpu.memory_space<hbm>>) target_semaphore(%run_scoped3A : memref<!tpu.dma_semaphore, #tpu.memory_space<semaphore_mem>>)
      %dma_wait3A_88 = arith.constant 0 : i32
      %dma_wait3A_89 = arith.constant 0 : i32
      %dma_wait3A_90 = tpu.memref_slice %arg7[%dma_wait3A_88, %dma_wait3A_89] : memref<392x128xf32, #tpu.memory_space<vmem>> -> memref<392x128xf32, #tpu.memory_space<vmem>>
      %dma_wait3A_91 = arith.constant 0 : i32
      %dma_wait3A_92 = tpu.memref_slice %arg4[%add3A_37, %dma_wait3A_91] : memref<50000x128xf32, #tpu.memory_space<hbm>> -> memref<392x128xf32, #tpu.memory_space<hbm>>
      %dma_wait3A_93 = arith.constant 0 : i32
      %dma_wait3A_94 = tpu.memref_slice %arg4[%add3A_37, %dma_wait3A_93] : memref<50000x128xf32, #tpu.memory_space<hbm>> -> memref<392x128xf32, #tpu.memory_space<hbm>>
      %dma_wait3A_95 = arith.constant 0 : i32
      %dma_wait3A_96 = arith.constant 0 : i32
      %dma_wait3A_97 = tpu.memref_slice %arg7[%dma_wait3A_95, %dma_wait3A_96] : memref<392x128xf32, #tpu.memory_space<vmem>> -> memref<392x128xf32, #tpu.memory_space<vmem>>
      tpu.wait_dma2 semaphore(%run_scoped3A : memref<!tpu.dma_semaphore, #tpu.memory_space<semaphore_mem>>) src(%dma_wait3A_97 : memref<392x128xf32, #tpu.memory_space<vmem>>) dst(%dma_wait3A_94 : memref<392x128xf32, #tpu.memory_space<hbm>>)
      tpu.yield
    }) : () -> ()
    %dma_start3A_38 = arith.constant 0 : i32
    %dma_start3A_39 = arith.constant 0 : i32
    %dma_start3A_40 = tpu.memref_slice %arg7[%dma_start3A_38, %dma_start3A_39] : memref<392x128xf32, #tpu.memory_space<vmem>> -> memref<392x128xf32, #tpu.memory_space<vmem>>
    %dma_start3A_41 = arith.constant 784 : i32
    %dma_start3A_42 = tpu.memref_slice %arg6[%dma_start3A_41] : memref<1568xi32, #tpu.memory_space<vmem>> -> memref<392xi32, #tpu.memory_space<vmem>>
    %dma_start3A_43 = arith.constant 0 : i32
    %dma_start3A_44 = arith.constant 0 : i32
    %dma_start3A_45 = tpu.memref_slice %arg5[%dma_start3A_43, %dma_start3A_44] : memref<119x128xf32, #tpu.memory_space<vmem_shared>> -> memref<119x128xf32, #tpu.memory_space<vmem_shared>>
    tpu.enqueue_indirect_dma source(%dma_start3A_45 : memref<119x128xf32, #tpu.memory_space<vmem_shared>>) target(%dma_start3A_40 : memref<392x128xf32, #tpu.memory_space<vmem>>) offsets(%dma_start3A_42 : memref<392xi32, #tpu.memory_space<vmem>>) semaphore(%arg9 : memref<!tpu.dma_semaphore, #tpu.memory_space<semaphore_mem>>)
    %dma_wait3A_46 = arith.constant 0 : i32
    %dma_wait3A_47 = arith.constant 0 : i32
    %dma_wait3A_48 = tpu.memref_slice %arg8[%dma_wait3A_46, %dma_wait3A_47] : memref<392x128xf32, #tpu.memory_space<vmem>> -> memref<392x128xf32, #tpu.memory_space<vmem>>
    %dma_wait3A_49 = arith.constant 392 : i32
    %dma_wait3A_50 = tpu.memref_slice %arg6[%dma_wait3A_49] : memref<1568xi32, #tpu.memory_space<vmem>> -> memref<392xi32, #tpu.memory_space<vmem>>
    %dma_wait3A_51 = arith.constant 0 : i32
    %dma_wait3A_52 = arith.constant 0 : i32
    %dma_wait3A_53 = tpu.memref_slice %arg5[%dma_wait3A_51, %dma_wait3A_52] : memref<119x128xf32, #tpu.memory_space<vmem_shared>> -> memref<119x128xf32, #tpu.memory_space<vmem_shared>>
    tpu.wait_indirect_dma semaphore(%arg10 : memref<!tpu.dma_semaphore, #tpu.memory_space<semaphore_mem>>) src(%dma_wait3A_53 : memref<119x128xf32, #tpu.memory_space<vmem_shared>>) dst(%dma_wait3A_48 : memref<392x128xf32, #tpu.memory_space<vmem>>)
    %add3A_54 = arith.constant 392 : i32
    %add3A_55 = arith.addi %mul3A_4, %add3A_54 : i32
    "tpu.region"() ({
      %run_scoped3A = tpu.sem_alloc : memref<!tpu.dma_semaphore, #tpu.memory_space<semaphore_mem>>
      %dma_start3A_78 = arith.constant 0 : i32
      %dma_start3A_79 = arith.constant 0 : i32
      %dma_start3A_80 = tpu.memref_slice %arg8[%dma_start3A_78, %dma_start3A_79] : memref<392x128xf32, #tpu.memory_space<vmem>> -> memref<392x128xf32, #tpu.memory_space<vmem>>
      %dma_start3A_81 = arith.constant 0 : i32
      %dma_start3A_82 = tpu.memref_slice %arg4[%add3A_55, %dma_start3A_81] : memref<50000x128xf32, #tpu.memory_space<hbm>> -> memref<392x128xf32, #tpu.memory_space<hbm>>
      %dma_start3A_83 = arith.constant 0 : i32
      %dma_start3A_84 = tpu.memref_slice %arg4[%add3A_55, %dma_start3A_83] : memref<50000x128xf32, #tpu.memory_space<hbm>> -> memref<392x128xf32, #tpu.memory_space<hbm>>
      %dma_start3A_85 = arith.constant 0 : i32
      %dma_start3A_86 = arith.constant 0 : i32
      %dma_start3A_87 = tpu.memref_slice %arg8[%dma_start3A_85, %dma_start3A_86] : memref<392x128xf32, #tpu.memory_space<vmem>> -> memref<392x128xf32, #tpu.memory_space<vmem>>
      tpu.enqueue_dma source(%dma_start3A_87 : memref<392x128xf32, #tpu.memory_space<vmem>>) target(%dma_start3A_84 : memref<392x128xf32, #tpu.memory_space<hbm>>) target_semaphore(%run_scoped3A : memref<!tpu.dma_semaphore, #tpu.memory_space<semaphore_mem>>)
      %dma_wait3A_88 = arith.constant 0 : i32
      %dma_wait3A_89 = arith.constant 0 : i32
      %dma_wait3A_90 = tpu.memref_slice %arg8[%dma_wait3A_88, %dma_wait3A_89] : memref<392x128xf32, #tpu.memory_space<vmem>> -> memref<392x128xf32, #tpu.memory_space<vmem>>
      %dma_wait3A_91 = arith.constant 0 : i32
      %dma_wait3A_92 = tpu.memref_slice %arg4[%add3A_55, %dma_wait3A_91] : memref<50000x128xf32, #tpu.memory_space<hbm>> -> memref<392x128xf32, #tpu.memory_space<hbm>>
      %dma_wait3A_93 = arith.constant 0 : i32
      %dma_wait3A_94 = tpu.memref_slice %arg4[%add3A_55, %dma_wait3A_93] : memref<50000x128xf32, #tpu.memory_space<hbm>> -> memref<392x128xf32, #tpu.memory_space<hbm>>
      %dma_wait3A_95 = arith.constant 0 : i32
      %dma_wait3A_96 = arith.constant 0 : i32
      %dma_wait3A_97 = tpu.memref_slice %arg8[%dma_wait3A_95, %dma_wait3A_96] : memref<392x128xf32, #tpu.memory_space<vmem>> -> memref<392x128xf32, #tpu.memory_space<vmem>>
      tpu.wait_dma2 semaphore(%run_scoped3A : memref<!tpu.dma_semaphore, #tpu.memory_space<semaphore_mem>>) src(%dma_wait3A_97 : memref<392x128xf32, #tpu.memory_space<vmem>>) dst(%dma_wait3A_94 : memref<392x128xf32, #tpu.memory_space<hbm>>)
      tpu.yield
    }) : () -> ()
    %convert_element_type3A_56 = arith.extui %lt3A_7 : i1 to i32
    %cond3A_57 = arith.constant 0 : i32
    %cond3A_58 = arith.cmpi ne, %convert_element_type3A_56, %cond3A_57 : i32
    scf.if %cond3A_58 {
      %dma_start3A_78 = arith.constant 0 : i32
      %dma_start3A_79 = arith.constant 0 : i32
      %dma_start3A_80 = tpu.memref_slice %arg8[%dma_start3A_78, %dma_start3A_79] : memref<392x128xf32, #tpu.memory_space<vmem>> -> memref<392x128xf32, #tpu.memory_space<vmem>>
      %dma_start3A_81 = arith.constant 1176 : i32
      %dma_start3A_82 = tpu.memref_slice %arg6[%dma_start3A_81] : memref<1568xi32, #tpu.memory_space<vmem>> -> memref<392xi32, #tpu.memory_space<vmem>>
      %dma_start3A_83 = arith.constant 0 : i32
      %dma_start3A_84 = arith.constant 0 : i32
      %dma_start3A_85 = tpu.memref_slice %arg5[%dma_start3A_83, %dma_start3A_84] : memref<119x128xf32, #tpu.memory_space<vmem_shared>> -> memref<119x128xf32, #tpu.memory_space<vmem_shared>>
      tpu.enqueue_indirect_dma source(%dma_start3A_85 : memref<119x128xf32, #tpu.memory_space<vmem_shared>>) target(%dma_start3A_80 : memref<392x128xf32, #tpu.memory_space<vmem>>) offsets(%dma_start3A_82 : memref<392xi32, #tpu.memory_space<vmem>>) semaphore(%arg10 : memref<!tpu.dma_semaphore, #tpu.memory_space<semaphore_mem>>)
    } else {
    }
    %convert_element_type3A_59 = arith.extui %eq3A_6 : i1 to i32
    %cond3A_60 = arith.constant 0 : i32
    %cond3A_61 = arith.cmpi ne, %convert_element_type3A_59, %cond3A_60 : i32
    scf.if %cond3A_61 {
      %dma_start3A_78 = arith.constant 0 : i32
      %dma_start3A_79 = arith.constant 0 : i32
      %dma_start3A_80 = tpu.memref_slice %arg8[%dma_start3A_78, %dma_start3A_79] : memref<392x128xf32, #tpu.memory_space<vmem>> -> memref<216x128xf32, #tpu.memory_space<vmem>>
      %dma_start3A_81 = arith.constant 1176 : i32
      %dma_start3A_82 = tpu.memref_slice %arg6[%dma_start3A_81] : memref<1568xi32, #tpu.memory_space<vmem>> -> memref<216xi32, #tpu.memory_space<vmem>>
      %dma_start3A_83 = arith.constant 0 : i32
      %dma_start3A_84 = arith.constant 0 : i32
      %dma_start3A_85 = tpu.memref_slice %arg5[%dma_start3A_83, %dma_start3A_84] : memref<119x128xf32, #tpu.memory_space<vmem_shared>> -> memref<119x128xf32, #tpu.memory_space<vmem_shared>>
      tpu.enqueue_indirect_dma source(%dma_start3A_85 : memref<119x128xf32, #tpu.memory_space<vmem_shared>>) target(%dma_start3A_80 : memref<216x128xf32, #tpu.memory_space<vmem>>) offsets(%dma_start3A_82 : memref<216xi32, #tpu.memory_space<vmem>>) semaphore(%arg10 : memref<!tpu.dma_semaphore, #tpu.memory_space<semaphore_mem>>)
    } else {
    }
    %dma_wait3A_62 = arith.constant 0 : i32
    %dma_wait3A_63 = arith.constant 0 : i32
    %dma_wait3A_64 = tpu.memref_slice %arg7[%dma_wait3A_62, %dma_wait3A_63] : memref<392x128xf32, #tpu.memory_space<vmem>> -> memref<392x128xf32, #tpu.memory_space<vmem>>
    %dma_wait3A_65 = arith.constant 784 : i32
    %dma_wait3A_66 = tpu.memref_slice %arg6[%dma_wait3A_65] : memref<1568xi32, #tpu.memory_space<vmem>> -> memref<392xi32, #tpu.memory_space<vmem>>
    %dma_wait3A_67 = arith.constant 0 : i32
    %dma_wait3A_68 = arith.constant 0 : i32
    %dma_wait3A_69 = tpu.memref_slice %arg5[%dma_wait3A_67, %dma_wait3A_68] : memref<119x128xf32, #tpu.memory_space<vmem_shared>> -> memref<119x128xf32, #tpu.memory_space<vmem_shared>>
    tpu.wait_indirect_dma semaphore(%arg9 : memref<!tpu.dma_semaphore, #tpu.memory_space<semaphore_mem>>) src(%dma_wait3A_69 : memref<119x128xf32, #tpu.memory_space<vmem_shared>>) dst(%dma_wait3A_64 : memref<392x128xf32, #tpu.memory_space<vmem>>)
    %add3A_70 = arith.constant 784 : i32
    %add3A_71 = arith.addi %mul3A_4, %add3A_70 : i32
    "tpu.region"() ({
      %run_scoped3A = tpu.sem_alloc : memref<!tpu.dma_semaphore, #tpu.memory_space<semaphore_mem>>
      %dma_start3A_78 = arith.constant 0 : i32
      %dma_start3A_79 = arith.constant 0 : i32
      %dma_start3A_80 = tpu.memref_slice %arg7[%dma_start3A_78, %dma_start3A_79] : memref<392x128xf32, #tpu.memory_space<vmem>> -> memref<392x128xf32, #tpu.memory_space<vmem>>
      %dma_start3A_81 = arith.constant 0 : i32
      %dma_start3A_82 = tpu.memref_slice %arg4[%add3A_71, %dma_start3A_81] : memref<50000x128xf32, #tpu.memory_space<hbm>> -> memref<392x128xf32, #tpu.memory_space<hbm>>
      %dma_start3A_83 = arith.constant 0 : i32
      %dma_start3A_84 = tpu.memref_slice %arg4[%add3A_71, %dma_start3A_83] : memref<50000x128xf32, #tpu.memory_space<hbm>> -> memref<392x128xf32, #tpu.memory_space<hbm>>
      %dma_start3A_85 = arith.constant 0 : i32
      %dma_start3A_86 = arith.constant 0 : i32
      %dma_start3A_87 = tpu.memref_slice %arg7[%dma_start3A_85, %dma_start3A_86] : memref<392x128xf32, #tpu.memory_space<vmem>> -> memref<392x128xf32, #tpu.memory_space<vmem>>
      tpu.enqueue_dma source(%dma_start3A_87 : memref<392x128xf32, #tpu.memory_space<vmem>>) target(%dma_start3A_84 : memref<392x128xf32, #tpu.memory_space<hbm>>) target_semaphore(%run_scoped3A : memref<!tpu.dma_semaphore, #tpu.memory_space<semaphore_mem>>)
      %dma_wait3A_88 = arith.constant 0 : i32
      %dma_wait3A_89 = arith.constant 0 : i32
      %dma_wait3A_90 = tpu.memref_slice %arg7[%dma_wait3A_88, %dma_wait3A_89] : memref<392x128xf32, #tpu.memory_space<vmem>> -> memref<392x128xf32, #tpu.memory_space<vmem>>
      %dma_wait3A_91 = arith.constant 0 : i32
      %dma_wait3A_92 = tpu.memref_slice %arg4[%add3A_71, %dma_wait3A_91] : memref<50000x128xf32, #tpu.memory_space<hbm>> -> memref<392x128xf32, #tpu.memory_space<hbm>>
      %dma_wait3A_93 = arith.constant 0 : i32
      %dma_wait3A_94 = tpu.memref_slice %arg4[%add3A_71, %dma_wait3A_93] : memref<50000x128xf32, #tpu.memory_space<hbm>> -> memref<392x128xf32, #tpu.memory_space<hbm>>
      %dma_wait3A_95 = arith.constant 0 : i32
      %dma_wait3A_96 = arith.constant 0 : i32
      %dma_wait3A_97 = tpu.memref_slice %arg7[%dma_wait3A_95, %dma_wait3A_96] : memref<392x128xf32, #tpu.memory_space<vmem>> -> memref<392x128xf32, #tpu.memory_space<vmem>>
      tpu.wait_dma2 semaphore(%run_scoped3A : memref<!tpu.dma_semaphore, #tpu.memory_space<semaphore_mem>>) src(%dma_wait3A_97 : memref<392x128xf32, #tpu.memory_space<vmem>>) dst(%dma_wait3A_94 : memref<392x128xf32, #tpu.memory_space<hbm>>)
      tpu.yield
    }) : () -> ()
    %convert_element_type3A_72 = arith.extui %lt3A_7 : i1 to i32
    %cond3A_73 = arith.constant 0 : i32
    %cond3A_74 = arith.cmpi ne, %convert_element_type3A_72, %cond3A_73 : i32
    scf.if %cond3A_74 {
      %dma_wait3A_78 = arith.constant 0 : i32
      %dma_wait3A_79 = arith.constant 0 : i32
      %dma_wait3A_80 = tpu.memref_slice %arg8[%dma_wait3A_78, %dma_wait3A_79] : memref<392x128xf32, #tpu.memory_space<vmem>> -> memref<392x128xf32, #tpu.memory_space<vmem>>
      %dma_wait3A_81 = arith.constant 1176 : i32
      %dma_wait3A_82 = tpu.memref_slice %arg6[%dma_wait3A_81] : memref<1568xi32, #tpu.memory_space<vmem>> -> memref<392xi32, #tpu.memory_space<vmem>>
      %dma_wait3A_83 = arith.constant 0 : i32
      %dma_wait3A_84 = arith.constant 0 : i32
      %dma_wait3A_85 = tpu.memref_slice %arg5[%dma_wait3A_83, %dma_wait3A_84] : memref<119x128xf32, #tpu.memory_space<vmem_shared>> -> memref<119x128xf32, #tpu.memory_space<vmem_shared>>
      tpu.wait_indirect_dma semaphore(%arg10 : memref<!tpu.dma_semaphore, #tpu.memory_space<semaphore_mem>>) src(%dma_wait3A_85 : memref<119x128xf32, #tpu.memory_space<vmem_shared>>) dst(%dma_wait3A_80 : memref<392x128xf32, #tpu.memory_space<vmem>>)
      %add3A_86 = arith.constant 1176 : i32
      %add3A_87 = arith.addi %mul3A_4, %add3A_86 : i32
      "tpu.region"() ({
        %run_scoped3A = tpu.sem_alloc : memref<!tpu.dma_semaphore, #tpu.memory_space<semaphore_mem>>
        %dma_start3A_88 = arith.constant 0 : i32
        %dma_start3A_89 = arith.constant 0 : i32
        %dma_start3A_90 = tpu.memref_slice %arg8[%dma_start3A_88, %dma_start3A_89] : memref<392x128xf32, #tpu.memory_space<vmem>> -> memref<392x128xf32, #tpu.memory_space<vmem>>
        %dma_start3A_91 = arith.constant 0 : i32
        %dma_start3A_92 = tpu.memref_slice %arg4[%add3A_87, %dma_start3A_91] : memref<50000x128xf32, #tpu.memory_space<hbm>> -> memref<392x128xf32, #tpu.memory_space<hbm>>
        %dma_start3A_93 = arith.constant 0 : i32
        %dma_start3A_94 = tpu.memref_slice %arg4[%add3A_87, %dma_start3A_93] : memref<50000x128xf32, #tpu.memory_space<hbm>> -> memref<392x128xf32, #tpu.memory_space<hbm>>
        %dma_start3A_95 = arith.constant 0 : i32
        %dma_start3A_96 = arith.constant 0 : i32
        %dma_start3A_97 = tpu.memref_slice %arg8[%dma_start3A_95, %dma_start3A_96] : memref<392x128xf32, #tpu.memory_space<vmem>> -> memref<392x128xf32, #tpu.memory_space<vmem>>
        tpu.enqueue_dma source(%dma_start3A_97 : memref<392x128xf32, #tpu.memory_space<vmem>>) target(%dma_start3A_94 : memref<392x128xf32, #tpu.memory_space<hbm>>) target_semaphore(%run_scoped3A : memref<!tpu.dma_semaphore, #tpu.memory_space<semaphore_mem>>)
        %dma_wait3A_98 = arith.constant 0 : i32
        %dma_wait3A_99 = arith.constant 0 : i32
        %dma_wait3A_100 = tpu.memref_slice %arg8[%dma_wait3A_98, %dma_wait3A_99] : memref<392x128xf32, #tpu.memory_space<vmem>> -> memref<392x128xf32, #tpu.memory_space<vmem>>
        %dma_wait3A_101 = arith.constant 0 : i32
        %dma_wait3A_102 = tpu.memref_slice %arg4[%add3A_87, %dma_wait3A_101] : memref<50000x128xf32, #tpu.memory_space<hbm>> -> memref<392x128xf32, #tpu.memory_space<hbm>>
        %dma_wait3A_103 = arith.constant 0 : i32
        %dma_wait3A_104 = tpu.memref_slice %arg4[%add3A_87, %dma_wait3A_103] : memref<50000x128xf32, #tpu.memory_space<hbm>> -> memref<392x128xf32, #tpu.memory_space<hbm>>
        %dma_wait3A_105 = arith.constant 0 : i32
        %dma_wait3A_106 = arith.constant 0 : i32
        %dma_wait3A_107 = tpu.memref_slice %arg8[%dma_wait3A_105, %dma_wait3A_106] : memref<392x128xf32, #tpu.memory_space<vmem>> -> memref<392x128xf32, #tpu.memory_space<vmem>>
        tpu.wait_dma2 semaphore(%run_scoped3A : memref<!tpu.dma_semaphore, #tpu.memory_space<semaphore_mem>>) src(%dma_wait3A_107 : memref<392x128xf32, #tpu.memory_space<vmem>>) dst(%dma_wait3A_104 : memref<392x128xf32, #tpu.memory_space<hbm>>)
        tpu.yield
      }) : () -> ()
    } else {
    }
    %convert_element_type3A_75 = arith.extui %eq3A_6 : i1 to i32
    %cond3A_76 = arith.constant 0 : i32
    %cond3A_77 = arith.cmpi ne, %convert_element_type3A_75, %cond3A_76 : i32
    scf.if %cond3A_77 {
      %dma_wait3A_78 = arith.constant 0 : i32
      %dma_wait3A_79 = arith.constant 0 : i32
      %dma_wait3A_80 = tpu.memref_slice %arg8[%dma_wait3A_78, %dma_wait3A_79] : memref<392x128xf32, #tpu.memory_space<vmem>> -> memref<216x128xf32, #tpu.memory_space<vmem>>
      %dma_wait3A_81 = arith.constant 1176 : i32
      %dma_wait3A_82 = tpu.memref_slice %arg6[%dma_wait3A_81] : memref<1568xi32, #tpu.memory_space<vmem>> -> memref<216xi32, #tpu.memory_space<vmem>>
      %dma_wait3A_83 = arith.constant 0 : i32
      %dma_wait3A_84 = arith.constant 0 : i32
      %dma_wait3A_85 = tpu.memref_slice %arg5[%dma_wait3A_83, %dma_wait3A_84] : memref<119x128xf32, #tpu.memory_space<vmem_shared>> -> memref<119x128xf32, #tpu.memory_space<vmem_shared>>
      tpu.wait_indirect_dma semaphore(%arg10 : memref<!tpu.dma_semaphore, #tpu.memory_space<semaphore_mem>>) src(%dma_wait3A_85 : memref<119x128xf32, #tpu.memory_space<vmem_shared>>) dst(%dma_wait3A_80 : memref<216x128xf32, #tpu.memory_space<vmem>>)
      %add3A_86 = arith.constant 1176 : i32
      %add3A_87 = arith.addi %mul3A_4, %add3A_86 : i32
      "tpu.region"() ({
        %run_scoped3A = tpu.sem_alloc : memref<!tpu.dma_semaphore, #tpu.memory_space<semaphore_mem>>
        %dma_start3A_88 = arith.constant 0 : i32
        %dma_start3A_89 = arith.constant 0 : i32
        %dma_start3A_90 = tpu.memref_slice %arg8[%dma_start3A_88, %dma_start3A_89] : memref<392x128xf32, #tpu.memory_space<vmem>> -> memref<216x128xf32, #tpu.memory_space<vmem>>
        %dma_start3A_91 = arith.constant 0 : i32
        %dma_start3A_92 = tpu.memref_slice %arg4[%add3A_87, %dma_start3A_91] : memref<50000x128xf32, #tpu.memory_space<hbm>> -> memref<216x128xf32, #tpu.memory_space<hbm>>
        %dma_start3A_93 = arith.constant 0 : i32
        %dma_start3A_94 = tpu.memref_slice %arg4[%add3A_87, %dma_start3A_93] : memref<50000x128xf32, #tpu.memory_space<hbm>> -> memref<216x128xf32, #tpu.memory_space<hbm>>
        %dma_start3A_95 = arith.constant 0 : i32
        %dma_start3A_96 = arith.constant 0 : i32
        %dma_start3A_97 = tpu.memref_slice %arg8[%dma_start3A_95, %dma_start3A_96] : memref<392x128xf32, #tpu.memory_space<vmem>> -> memref<216x128xf32, #tpu.memory_space<vmem>>
        tpu.enqueue_dma source(%dma_start3A_97 : memref<216x128xf32, #tpu.memory_space<vmem>>) target(%dma_start3A_94 : memref<216x128xf32, #tpu.memory_space<hbm>>) target_semaphore(%run_scoped3A : memref<!tpu.dma_semaphore, #tpu.memory_space<semaphore_mem>>)
        %dma_wait3A_98 = arith.constant 0 : i32
        %dma_wait3A_99 = arith.constant 0 : i32
        %dma_wait3A_100 = tpu.memref_slice %arg8[%dma_wait3A_98, %dma_wait3A_99] : memref<392x128xf32, #tpu.memory_space<vmem>> -> memref<216x128xf32, #tpu.memory_space<vmem>>
        %dma_wait3A_101 = arith.constant 0 : i32
        %dma_wait3A_102 = tpu.memref_slice %arg4[%add3A_87, %dma_wait3A_101] : memref<50000x128xf32, #tpu.memory_space<hbm>> -> memref<216x128xf32, #tpu.memory_space<hbm>>
        %dma_wait3A_103 = arith.constant 0 : i32
        %dma_wait3A_104 = tpu.memref_slice %arg4[%add3A_87, %dma_wait3A_103] : memref<50000x128xf32, #tpu.memory_space<hbm>> -> memref<216x128xf32, #tpu.memory_space<hbm>>
        %dma_wait3A_105 = arith.constant 0 : i32
        %dma_wait3A_106 = arith.constant 0 : i32
        %dma_wait3A_107 = tpu.memref_slice %arg8[%dma_wait3A_105, %dma_wait3A_106] : memref<392x128xf32, #tpu.memory_space<vmem>> -> memref<216x128xf32, #tpu.memory_space<vmem>>
        tpu.wait_dma2 semaphore(%run_scoped3A : memref<!tpu.dma_semaphore, #tpu.memory_space<semaphore_mem>>) src(%dma_wait3A_107 : memref<216x128xf32, #tpu.memory_space<vmem>>) dst(%dma_wait3A_104 : memref<216x128xf32, #tpu.memory_space<hbm>>)
        tpu.yield
      }) : () -> ()
    } else {
    }
    return
  }
}

module attributes {stable_mosaic.version = 14 : i64} {
  func.func @_edge_body(%arg0: i32, %arg1: memref<3x64000xf32, #tpu.memory_space<vmem>>, %arg2: memref<3x64000xf32, #tpu.memory_space<vmem>>, %arg3: memref<16x64000xf32, #tpu.memory_space<vmem>>, %arg4: memref<3x2000x128xf32, #tpu.memory_space<vmem>>, %arg5: memref<3x2000x128xf32, #tpu.memory_space<vmem>>) attributes {dimension_semantics = [#tpu.dimension_semantics<arbitrary>], iteration_bounds = array<i64: 25>, scalar_prefetch = 0 : i64, scratch_operands = 0 : i64, tpu.core_type = #tpu.core_type<tc>, window_params = [{transform_indices = @transform_0, window_bounds = array<i64: 3, 64000>}, {transform_indices = @transform_1, window_bounds = array<i64: 3, 64000>}, {transform_indices = @transform_2, window_bounds = array<i64: 16, 64000>}, {transform_indices = @transform_3, window_bounds = array<i64: 3, 2000, 128>}, {transform_indices = @transform_4, window_bounds = array<i64: 3, 2000, 128>}]} {
    %get3A = arith.constant 0 : index
    %get3A_0 = arith.constant 0 : index
    %get3A_1 = vector.load %arg1[%get3A, %get3A_0] : memref<3x64000xf32, #tpu.memory_space<vmem>>, vector<1x64000xf32>
    %get3A_2 = arith.constant 1 : index
    %get3A_3 = arith.constant 0 : index
    %get3A_4 = vector.load %arg1[%get3A_2, %get3A_3] : memref<3x64000xf32, #tpu.memory_space<vmem>>, vector<1x64000xf32>
    %get3A_5 = arith.constant 2 : index
    %get3A_6 = arith.constant 0 : index
    %get3A_7 = vector.load %arg1[%get3A_5, %get3A_6] : memref<3x64000xf32, #tpu.memory_space<vmem>>, vector<1x64000xf32>
    %mul3A = arith.mulf %get3A_1, %get3A_1 : vector<1x64000xf32>
    %mul3A_8 = arith.mulf %get3A_4, %get3A_4 : vector<1x64000xf32>
    %add3A = arith.addf %mul3A, %mul3A_8 : vector<1x64000xf32>
    %mul3A_9 = arith.mulf %get3A_7, %get3A_7 : vector<1x64000xf32>
    %add3A_10 = arith.addf %add3A, %mul3A_9 : vector<1x64000xf32>
    %add3A_11 = arith.constant 9.99999996E-13 : f32
    %add3A_12 = vector.broadcast %add3A_11 : f32 to vector<1x64000xf32>
    %add3A_13 = arith.addf %add3A_10, %add3A_12 : vector<1x64000xf32>
    %rsqrt3A = math.rsqrt %add3A_13 : vector<1x64000xf32>
    %mul3A_14 = arith.mulf %add3A_13, %rsqrt3A : vector<1x64000xf32>
    %mul3A_15 = arith.mulf %get3A_1, %rsqrt3A : vector<1x64000xf32>
    %swap3A = arith.constant 0 : index
    %swap3A_16 = arith.constant 0 : index
    %swap3A_17 = vector.load %arg2[%swap3A, %swap3A_16] : memref<3x64000xf32, #tpu.memory_space<vmem>>, vector<1x64000xf32>
    tpu.vector_store %arg2[%swap3A, %swap3A_16], %mul3A_15 {strides = array<i32>} : memref<3x64000xf32, #tpu.memory_space<vmem>>, vector<1x64000xf32>,
    %mul3A_18 = arith.mulf %get3A_4, %rsqrt3A : vector<1x64000xf32>
    %swap3A_19 = arith.constant 1 : index
    %swap3A_20 = arith.constant 0 : index
    %swap3A_21 = vector.load %arg2[%swap3A_19, %swap3A_20] : memref<3x64000xf32, #tpu.memory_space<vmem>>, vector<1x64000xf32>
    tpu.vector_store %arg2[%swap3A_19, %swap3A_20], %mul3A_18 {strides = array<i32>} : memref<3x64000xf32, #tpu.memory_space<vmem>>, vector<1x64000xf32>,
    %mul3A_22 = arith.mulf %get3A_7, %rsqrt3A : vector<1x64000xf32>
    %swap3A_23 = arith.constant 2 : index
    %swap3A_24 = arith.constant 0 : index
    %swap3A_25 = vector.load %arg2[%swap3A_23, %swap3A_24] : memref<3x64000xf32, #tpu.memory_space<vmem>>, vector<1x64000xf32>
    tpu.vector_store %arg2[%swap3A_23, %swap3A_24], %mul3A_22 {strides = array<i32>} : memref<3x64000xf32, #tpu.memory_space<vmem>>, vector<1x64000xf32>,
    %mul3A_26 = arith.constant 0.628318548 : f32
    %mul3A_27 = vector.broadcast %mul3A_26 : f32 to vector<1x64000xf32>
    %mul3A_28 = arith.mulf %mul3A_27, %mul3A_14 : vector<1x64000xf32>
    %cos3A = math.cos %mul3A_28 : vector<1x64000xf32>
    %add3A_29 = arith.constant 1.000000e+00 : f32
    %add3A_30 = vector.broadcast %add3A_29 : f32 to vector<1x64000xf32>
    %add3A_31 = arith.addf %cos3A, %add3A_30 : vector<1x64000xf32>
    %mul3A_32 = arith.constant 5.000000e-01 : f32
    %mul3A_33 = vector.broadcast %mul3A_32 : f32 to vector<1x64000xf32>
    %mul3A_34 = arith.mulf %mul3A_33, %add3A_31 : vector<1x64000xf32>
    %lt3A = arith.constant 5.000000e+00 : f32
    %lt3A_35 = vector.broadcast %lt3A : f32 to vector<1x64000xf32>
    %lt3A_36 = arith.cmpf olt, %mul3A_14, %lt3A_35 : vector<1x64000xf32>
    %jit3A = arith.constant 0.000000e+00 : f32
    %broadcast_in_dim3A = vector.broadcast %jit3A : f32 to vector<1x64000xf32>
    %select_n3A = arith.select %lt3A_36, %mul3A_34, %broadcast_in_dim3A : vector<1x64000xi1>, vector<1x64000xf32>
    %iota3A = tpu.iota {dimensions = array<i32: 0>} : vector<16x1xi32>
    %convert_element_type3A = arith.sitofp %iota3A : vector<16x1xi32> to vector<16x1xf32>
    %mul3A_37 = arith.constant 0.333333343 : f32
    %mul3A_38 = vector.broadcast %mul3A_37 : f32 to vector<16x1xf32>
    %mul3A_39 = arith.mulf %convert_element_type3A, %mul3A_38 : vector<16x1xf32>
    %sub3A = vector.broadcast %mul3A_14 : vector<1x64000xf32> to vector<16x64000xf32>
    %sub3A_40 = vector.broadcast %mul3A_39 : vector<16x1xf32> to vector<16x64000xf32>
    %sub3A_41 = arith.subf %sub3A, %sub3A_40 : vector<16x64000xf32>
    %mul3A_42 = arith.mulf %sub3A_41, %sub3A_41 : vector<16x64000xf32>
    %mul3A_43 = arith.constant -4.500000e+00 : f32
    %mul3A_44 = vector.broadcast %mul3A_43 : f32 to vector<16x64000xf32>
    %mul3A_45 = arith.mulf %mul3A_44, %mul3A_42 : vector<16x64000xf32>
    %exp3A = math.exp %mul3A_45 : vector<16x64000xf32>
    %mul3A_46 = vector.broadcast %select_n3A : vector<1x64000xf32> to vector<16x64000xf32>
    %mul3A_47 = arith.mulf %mul3A_46, %exp3A : vector<16x64000xf32>
    %swap3A_48 = arith.constant 0 : index
    %swap3A_49 = arith.constant 0 : index
    %swap3A_50 = vector.load %arg3[%swap3A_48, %swap3A_49] : memref<16x64000xf32, #tpu.memory_space<vmem>>, vector<16x64000xf32>
    tpu.vector_store %arg3[%swap3A_48, %swap3A_49], %mul3A_47 {strides = array<i32>} : memref<16x64000xf32, #tpu.memory_space<vmem>>, vector<16x64000xf32>,
    %broadcast_in_dim3A_51 = arith.constant 0.000000e+00 : f32
    %broadcast_in_dim3A_52 = vector.broadcast %broadcast_in_dim3A_51 : f32 to vector<3x2000x128xf32>
    %swap3A_53 = arith.constant 0 : index
    %swap3A_54 = arith.constant 0 : index
    %swap3A_55 = arith.constant 0 : index
    %swap3A_56 = vector.load %arg4[%swap3A_53, %swap3A_54, %swap3A_55] : memref<3x2000x128xf32, #tpu.memory_space<vmem>>, vector<3x2000x128xf32>
    tpu.vector_store %arg4[%swap3A_53, %swap3A_54, %swap3A_55], %broadcast_in_dim3A_52 {strides = array<i32>} : memref<3x2000x128xf32, #tpu.memory_space<vmem>>, vector<3x2000x128xf32>,
    %broadcast_in_dim3A_57 = arith.constant 0.000000e+00 : f32
    %broadcast_in_dim3A_58 = vector.broadcast %broadcast_in_dim3A_57 : f32 to vector<3x2000x128xf32>
    %swap3A_59 = arith.constant 0 : index
    %swap3A_60 = arith.constant 0 : index
    %swap3A_61 = arith.constant 0 : index
    %swap3A_62 = vector.load %arg5[%swap3A_59, %swap3A_60, %swap3A_61] : memref<3x2000x128xf32, #tpu.memory_space<vmem>>, vector<3x2000x128xf32>
    tpu.vector_store %arg5[%swap3A_59, %swap3A_60, %swap3A_61], %broadcast_in_dim3A_58 {strides = array<i32>} : memref<3x2000x128xf32, #tpu.memory_space<vmem>>, vector<3x2000x128xf32>,
    return
  }
  func.func @transform_0(%arg0: i32) -> (i32, i32) {
    %c0_i32 = arith.constant 0 : i32
    %c0_i32_0 = arith.constant 0 : i32
    return %c0_i32, %arg0 : i32, i32
  }
  func.func @transform_1(%arg0: i32) -> (i32, i32) {
    %c0_i32 = arith.constant 0 : i32
    %c0_i32_0 = arith.constant 0 : i32
    return %c0_i32, %arg0 : i32, i32
  }
  func.func @transform_2(%arg0: i32) -> (i32, i32) {
    %c0_i32 = arith.constant 0 : i32
    %c0_i32_0 = arith.constant 0 : i32
    return %c0_i32, %arg0 : i32, i32
  }
  func.func @transform_3(%arg0: i32) -> (i32, i32, i32) {
    %c0_i32 = arith.constant 0 : i32
    %c0_i32_0 = arith.constant 0 : i32
    %c0_i32_1 = arith.constant 0 : i32
    return %c0_i32, %arg0, %c0_i32_0 : i32, i32, i32
  }
  func.func @transform_4(%arg0: i32) -> (i32, i32, i32) {
    %c0_i32 = arith.constant 0 : i32
    %c0_i32_0 = arith.constant 0 : i32
    %c0_i32_1 = arith.constant 0 : i32
    return %c0_i32, %arg0, %c0_i32_0 : i32, i32, i32
  }
}

</mosaic_0001>

<sc_bundles>
// kernel: kernel.4.cloned.1.call-start
scs
__scs_entry_jumppad:
0x0: {  	(pc) =	sbr.rel $0x88, $3  }
0x1: {  	(tag) =	ssettag $0x0;
	lr =	simm.s32 $0x1  }
0x2: {  	[smem:$0x3F9E] =	sst lr;
	_ =	strace $0xD0000000  }
0x3: {  	_ = 	snop  }
0x4: {  	_ = 	snop  }
0x5: {  	_ = 	snop  }
0x6: {  	_ = 	snop  }
0x7: {  	_ = 	snop  }
__scs_overlays_trampoline_lowered:
0x8: {  	[smem:$0x3FAD] =	sst s0  }
0x9: {  	[smem:$0x3FAE] =	sst s1  }
0xa: {  	[smem:$0x3FAF] =	sst s2  }
0xb: {  	[smem:$0x3FB0] =	sst s3  }
0xc: {  	[smem:$0x3FB1] =	sst s4  }
0xd: {  	[smem:$0x3FB2] =	sst s5  }
0xe: {  	[smem:$0x3FB3] =	sst s6  }
0xf: {  	[smem:$0x3FB4] =	sst s7  }
0x10: {  	[smem:$0x3FB5] =	sst s8  }
0x11: {  	[smem:$0x3FB6] =	sst s9;
	s0 =	simm.s32 @!p0 $0x0  }
0x12: {  	s1 =	sld [smem:$0x3F9C];
	s0 =	simm.s32 @p0 $0x1  }
0x13: {  	[smem:$0x3FB7] =	sst s0;
	s0 =	simm.s32 @!p1 $0x0  }
0x14: {  	s2 =	sld [smem:$0x3F9B];
	s0 =	simm.s32 @p1 $0x1  }
0x15: {  	[smem:$0x3FB8] =	sst s0;
	s0 =	simm.s32 @!p2 $0x0  }
0x16: {  	s3 =	sld [smem:$0x3FDB];
	s0 =	simm.s32 @p2 $0x1  }
0x17: {  	s4 =	simm.s32 $0x1BF5;
	[smem:$0x3FBA] =	sst s0  }
0x18: {  	s0 =	sld [smem:$0x3F9D];
	_ =	swait.ge [sflag:s4], $0x0  }
0x19: {  	s7 =	sld [smem:$0x3F9E]  }
0x1a: {  	s8 =	sadd.s32 $0xFFFFE003, lr  }
0x1b: {  	s9 =	sadd.s32 $0xFFFFFEF7, lr;
	s5 =	simm.s32 $0xFFFFFFFF;
	p2 =	slt.u32 s8, $0xFFFFF086  }
0x1c: {  	p1 =	slt.u32 s9, $0xF7A;
	s5 =	simm.s32 @!p2 $0x0  }
0x1d: {  	s5 =	simm.s32 @p1 $0x1;
	p0 =	seq.s32 s7, s2  }
0x1e: {  	s7 =	smul.u32 @!p0 $0xF7A, s2;
	p2 =	seq.s32 @!p0 s5, $0x0  }
0x1f: {  	s9 =	smul.u32 $0xF7A, s1;
	s8 =	simm.s32 @!p0 $0x1BF5;
	p2 =	por !p2, p0  }
0x20: {  	[sflag:s8] =	ssyncset.s32 @!p0 $0xFFFFF086;
	s6 =	sadd.s32 @!p0 s3, s7;
	s7 =	simm.s32 @!p0 $0x108  }
0x21: {  	s3 =	sadd.s32 s3, s9;
	s6 =	sadd.s32 @!p0 $0x88, s6;
	s7 =	simm.s32 @p2 $0x1082  }
0x22: {  	[simem:s7], [sflag:s8] =	dma.local @!p0 [hbm:s6], $0xF7A  }
0x23: {  	s9 =	sor.u32 $0xD0000000, s2;
	s6 =	simm.s32 $0x108;
	_ =	swait.ge @!p0 [sflag:s8], $0x0  }
0x24: {  	s3 =	sadd.s32 $0x88, s3;
	s6 =	simm.s32 @!p1 $0x1082;
	[sflag:s4] =	ssyncset.s32 $0xFFFFF086  }
0x25: {  	[simem:s6], [sflag:s4] =	dma.local [hbm:s3], $0xF7A  }
0x26: {  	[smem:$0x3F9E] =	sst s1;
	(tag) =	ssettag s2;
	_ =	strace s9  }
0x27: {  	s1 =	sld [smem:$0x3FAE]  }
0x28: {  	s2 =	sld [smem:$0x3FAF]  }
0x29: {  	s4 =	sld [smem:$0x3FB1]  }
0x2a: {  	p0 =	seq.s32 s5, $0x0;
	s5 =	sld [smem:$0x3FB2]  }
0x2b: {  	s6 =	sld [smem:$0x3FB3]  }
0x2c: {  	s7 =	sld [smem:$0x3FB4]  }
0x2d: {  	s3 =	simm.s32 $0x108;
	s8 =	sld [smem:$0x3FB5]  }
0x2e: {  	s3 =	simm.s32 @!p0 $0x1082;
	s9 =	sld [smem:$0x3FB6]  }
0x2f: {  	lr =	sadd.s32 s0, s3;
	s0 =	sld [smem:$0x3FAD]  }
0x30: {  	s3 =	sld [smem:$0x3FB0]  }
0x31: {  	[smem:$0x3FB9] =	sst s10  }
0x32: {  	s10 =	sld [smem:$0x3FB7];
	_ =	sdelay $0x3  }
0x33: {  	p0 =	seq.s32 s10, $0x1;
	s10 =	sld [smem:$0x3FB9];
	_ =	sdelay $0x3  }
0x34: {  	[smem:$0x3FB9] =	sst s10  }
0x35: {  	s10 =	sld [smem:$0x3FB8];
	_ =	sdelay $0x3  }
0x36: {  	p1 =	seq.s32 s10, $0x1;
	s10 =	sld [smem:$0x3FB9];
	_ =	sdelay $0x3  }
0x37: {  	[smem:$0x3FB9] =	sst s10  }
0x38: {  	s10 =	sld [smem:$0x3FBA]  }
0x39: {  	_ = 	snop;
	(pc) =	sbr.ind lr, $3  }
0x3a: {  	_ = 	snop  }
0x3b: {  	_ = 	snop  }
0x3c: {  	p2 =	seq.s32 s10, $0x1;
	s10 =	sld [smem:$0x3FB9]  }
0x3d: {  	_ =	shalt  }
0x3e: {  	_ =	shalt  }
0x3f: {  	_ =	shalt  }
0x40: {  	_ =	shalt  }
0x41: {  	_ =	shalt  }
0x42: {  	_ =	shalt  }
0x43: {  	_ =	shalt  }
0x44: {  	_ =	shalt  }
0x45: {  	_ =	shalt  }
0x46: {  	_ =	shalt  }
0x47: {  	_ =	shalt  }
0x48: {  	_ =	shalt  }
0x49: {  	_ =	shalt  }
0x4a: {  	_ =	shalt  }
0x4b: {  	_ =	shalt  }
0x4c: {  	_ =	shalt  }
0x4d: {  	_ =	shalt  }
0x4e: {  	_ =	shalt  }
0x4f: {  	_ =	shalt  }
0x50: {  	_ =	shalt  }
0x51: {  	_ =	shalt  }
0x52: {  	_ =	shalt  }
0x53: {  	_ =	shalt  }
0x54: {  	_ =	shalt  }
0x55: {  	_ =	shalt  }
0x56: {  	_ =	shalt  }
0x57: {  	_ =	shalt  }
0x58: {  	_ =	shalt  }
0x59: {  	_ =	shalt  }
0x5a: {  	_ =	shalt  }
0x5b: {  	_ =	shalt  }
0x5c: {  	_ =	shalt  }
0x5d: {  	_ =	shalt  }
0x5e: {  	_ =	shalt  }
0x5f: {  	_ =	shalt  }
0x60: {  	_ =	shalt  }
0x61: {  	_ =	shalt  }
0x62: {  	_ =	shalt  }
0x63: {  	_ =	shalt  }
0x64: {  	_ =	shalt  }
0x65: {  	_ =	shalt  }
0x66: {  	_ =	shalt  }
0x67: {  	_ =	shalt  }
0x68: {  	_ =	shalt  }
0x69: {  	_ =	shalt  }
0x6a: {  	_ =	shalt  }
0x6b: {  	_ =	shalt  }
0x6c: {  	_ =	shalt  }
0x6d: {  	_ =	shalt  }
0x6e: {  	_ =	shalt  }
0x6f: {  	_ =	shalt  }
0x70: {  	_ =	shalt  }
0x71: {  	_ =	shalt  }
0x72: {  	_ =	shalt  }
0x73: {  	_ =	shalt  }
0x74: {  	_ =	shalt  }
0x75: {  	_ =	shalt  }
0x76: {  	_ =	shalt  }
0x77: {  	_ =	shalt  }
0x78: {  	_ =	shalt  }
0x79: {  	_ =	shalt  }
0x7a: {  	_ =	shalt  }
0x7b: {  	_ =	shalt  }
0x7c: {  	_ =	shalt  }
0x7d: {  	_ =	shalt  }
0x7e: {  	_ =	shalt  }
0x7f: {  	_ =	shalt  }
0x80: {  	_ =	shalt  }
0x81: {  	_ =	shalt  }
0x82: {  	_ =	shalt  }
0x83: {  	_ =	shalt  }
0x84: {  	_ =	shalt  }
0x85: {  	_ =	shalt  }
0x86: {  	_ =	shalt  }
0x87: {  	_ =	shalt  }
.Lfunc_end0:
.L_simem_size_0:
called_computation_lowered:
.L_overlay_start_0:
0x88: {  	s2 =	sld [smem:$0x3FD9]  }
0x89: {  	s3 =	sld [smem:$0x3FFE];
	_ =	sdelay $0x1  }
0x8a: {  	s1 =	srdreg.scid  }
0x8b: {  	s0 =	sand.u32 $0x1, s1  }
0x8c: {  	s15 =	sshll.u32 s0, $0xA;
	s2 =	sadd.s32 s3, s2  }
0x8d: {  	s2 =	sadd.s32 s2, s15  }
0x8e: {  	[smem:$0x3FC5] =	sst s2  }
0x8f: {  	_ = 	snop  }
0x90: {  	s2 =	sld [smem:$0x3FD0];
	_ =	sdelay $0x1  }
0x91: {  	s16 =	sld [smem:$0x3FC9]  }
0x92: {  	s5 =	simm.s32 $0xA;
	s6 =	simm.s32 $0x10;
	s4 =	sld [smem:$0x3FC7]  }
0x93: {  	[smem:s6], [sflag:s5] =	dma.local [hbm:s2], $0x1  }
0x94: {  	_ =	swait.eq [sflag:s5], $0x1  }
0x95: {  	[sflag:s5] =	ssyncset.done $0x0  }
0x96: {  	[sflag:s5] =	ssyncadd.s32 $0xFFFFFFFF  }
0x97: {  	s17 =	sld [smem:$0x10];
	(tm) =	ssettm $0x1  }
0x98: {  	s18 =	sld [smem:$0x3FFB];
	_ =	sdelay $0x3  }
0x99: {  	_ =	strace s18  }
0x9a: {  	s5 =	sld [smem:$0x3FFC];
	_ =	sdelay $0x3  }
0x9b: {  	_ =	strace s5  }
0x9c: {  	s5 =	sld [smem:$0x3FFD];
	_ =	sdelay $0x3  }
0x9d: {  	_ =	strace s5  }
0x9e: {  	_ =	strace $0x8FFFFFFF  }
0x9f: {  	s19 =	sld [smem:$0x3FDB];
	_ =	sdelay $0x1  }
0xa0: {  	s20 =	simm.s32 $_scs_section_size  }
0xa1: {  	s7 =	simm.s32 $_size__tile_overlayer_lowered;
	s8 =	simm.s32 $_tile_overlayer_lowered  }
0xa2: {  	s23 =	simm.s32 $0x1BFF;
	s22 =	sshll.u32 s8, $0x1;
	s5 =	sadd.s32 s20, s19  }
0xa3: {  	s9 =	simm.s32 $0x0;
	s21 =	sshll.u32 s7, $0x1;
	s7 =	sadd.s32 s22, s5  }
0xa4: {  	[timem:s9], [sflag:s23] =	dma.local [hbm:s7], s21  }
0xa5: {  	_ =	swait.ge [sflag:s23], s21  }
0xa6: {  	s6 =	ssub.s32 $0x0, s21;
	[sflag:s23] =	ssyncset.done $0x0  }
0xa7: {  	[sflag:s23] =	ssyncadd.s32 s6;
	_ =	sdelay $0x1  }
0xa8: {  	s24 =	simm.s32 $0x1B8B  }
0xa9: {  	_ =	swait.ge [sflag:s24], $0x1  }
0xaa: {  	[sflag:s24] =	ssyncset.done $0x0  }
0xab: {  	s25 =	simm.s32 $0x1B8E;
	[sflag:s24] =	ssyncadd.s32 $0xFFFFFFFF  }
0xac: {  	s26 =	simm.s32 $execute0_lowered;
	[smem:$0x3FD2] =	sst s25  }
0xad: {  	s6 =	sshll.u32 s26, $0x1;
	_ =	strace $0x80000046;
	[dreg:$0x1] =	wrdreg $0xFFFFFFFF  }
0xae: {  	s28 =	simm.s32 $_size_execute0_lowered;
	s5 =	sadd.s32 s5, s6;
	[dreg:$0x0] =	wrdreg $0x0  }
0xaf: {  	s6 =	sshll.u32 s28, $0x1;
	[dreg:$0x2] =	wrdreg s5  }
0xb0: {  	[dreg:$0x3] =	wrdreg s6  }
0xb1: {  	[dreg:$0x4] =	wrdreg $0xC0  }
0xb2: {  	_ =	task [dreg:s9], $0x5FFFF  }
0xb3: {  	[dreg:$0x1] =	wrdreg $0xFFFFFFFF  }
0xb4: {  	[dreg:$0x0] =	wrdreg $0x60  }
0xb5: {  	[dreg:$0x2] =	wrdreg s4  }
0xb6: {  	[dreg:$0x3] =	wrdreg s16  }
0xb7: {  	[dreg:$0x4] =	wrdreg s17  }
0xb8: {  	[dreg:$0x5] =	wrdreg $0x0  }
0xb9: {  	[dreg:$0x6] =	wrdreg $0x9  }
0xba: {  	_ =	task.clear_ibuf [dreg:s9], $0x7FFFF;
	_ =	strace $0x90000046  }
0xbb: {  	s29 =	simm.s32 $0x9;
	_ =	strace $0x80000048  }
0xbc: {  	_ =	swait.ge [sflag:s29], $0x1  }
0xbd: {  	[sflag:s29] =	ssyncadd.s32 $0xFFFFFFFF  }
0xbe: {  	_ =	strace $0x90000048  }
0xbf: {  	_ =	sfence  }
0xc0: {  	s30 =	sld [smem:$0x0];
	_ =	sdelay $0x2  }
0xc1: {  	s31 =	sshll.u32 s1, $0xD;
	s1 =	sshrl.u32 s1, $0x2  }
0xc2: {  	s3 =	sand.u32 $0x4000, s31;
	s1 =	sadd.s32 s1, s30  }
0xc3: {  	s0 =	sor.u32 s3, s0;
	s1 =	sshll.u32 s1, $0x11  }
0xc4: {  	s0 =	sor.u32 s1, s0  }
0xc5: {  	s0 =	sadd.s32 $0x8F2B, s0  }
0xc6: {  	[sflag:s0] =	ssyncadd.remote.s32 $0x1  }
0xc7: {  	_ =	sfence.sel $0xFFFF  }
0xc8: {  	[dreg:$0x0] =	wrdreg $0xFFFFFFFF;
	(pc) =	sbr.abs _section_cstart, $3  }
0xc9: {  	[dreg:$0x1] =	wrdreg $0xFFFFFFFF  }
0xca: {  	_ =	task.clear_ibuf [dreg:s9], $0x2FFFF;
	_ =	strace $0x9FFFFFFF  }
0xcb: {  	(tm) =	ssettm $0x7FFFFFFF  }
tec
execute0_lowered:
.L_overlay_start_1:
0x0: {  	(tag) =	ssettag $0x1  }
0x1: {  	s0 =	rddreg [dreg:$0x0]  }
0x2: {  	s25 =	rddreg [dreg:$0x1]  }
0x3: {  	s4 =	rddreg [dreg:$0x2]  }
0x4: {  	s2 =	srdreg.scid;
	s1 =	rddreg [dreg:$0x3]  }
0x5: {  	s6 =	stileid.u32;
	s18 =	rddreg [dreg:$0x4];
	s21 =	simm.s32 $0x3B8  }
0x6: {  	s24 =	simm.s32 $0x540;
	s11 =	simm.s32 $0xCE38;
	s12 =	simm.s32 $0x2  }
0x7: {  	p2 =	por $0x0, $0x0;
	[dreg:$0x5] =	wrdreg s0;
	s3 =	sand.u32 $0x1, s2  }
0x8: {  	s5 =	sshll.u32 s6, $0x1;
	s2 =	simm.s32 $0x0;
	s0 =	sadd.s32 $0x17BC, s25  }
0x9: {  	p0 =	sne.s32 s6, $0x0;
	s7 =	sor.u32 s3, s5;
	s3 =	ssub.s32 $0x2, s3  }
0xa: {  	s6 =	simm.s32 $0xA38;
	[smem:$0x7FF] =	sst s2;
	s10 =	sshrl.u32 s3, $0x1  }
0xb: {  	s16 =	sshrl.u32 @!p0 s1, $0x3;
	s5 =	smul.u32 $0xC4, s7;
	s29 =	ssub.s32 s3, s10  }
0xc: {  	_ =	strace $0x80000047;
	s8 =	smul.u32 $0x6200, s7;
	s31 =	smax.u32 s29, $0x1  }
0xd: {  	s9 =	smul.u32 $0x31000, s7;
	[dreg:$0x7] =	wrdreg s0;
	s14 =	sadd.s32 $0xFFFFFFFF, s31  }
0xe: {  	p1 =	seq.s32 s7, $0x1F;
	s7 =	simm.s32 $0x3;
	p3 =	sne.s32 s14, $0x0  }
.Ltmp0:
0xf: {  	s10 =	simm.s32 $0x188;
	s15 =	rddreg [dreg:$0x5];
	(pc) =	sbr.rel @!p3 .LBB2_1-.Ltmp0, $4  }
0x10: {  	s5 =	sadd.s32 s25, s5;
	s26 =	sadd.s32 s4, s8;
	s28 =	sshrl.u32 s9, $0x3  }
0x11: {  	s8 =	simm.s32 $0x1;
	s25 =	simm.s32 $0x6C8;
	[dreg:$0x6] =	wrdreg s5  }
0x12: {  	[dreg:$0x8] =	wrdreg s26;
	s30 =	sadd.s32 s4, s28;
	s4 =	sadd.s32 $0xC2780, s4  }
0x13: {  	s9 =	sadd.s32 $0x1880, s30;
	s5 =	sadd.s32 $0x3100, s30;
	s3 =	sadd.s32 $0x4980, s30  }
0x14: {  	s0 =	simm.s32 @!p0 $0x1C03;
	s18 =	simm.s32 @!p0 $0x3  }
0x15: {  	[spmem:s16], [sflag:s0] =	dma.local @!p0 [hbm:s15], $0x770  }
0x16: {  	_ =	swait.ge @!p0 [sflag:s18], $0x770  }
0x17: {  	[sflag:s18] =	ssyncset.done @!p0 $0x0  }
0x18: {  	[sflag:s18] =	ssyncadd.s32 @!p0 $0xFFFFF890  }
0x19: {  	s19 =	simm.s32 @p1 $0x0;
	[bflag:$0x0] =	sbarrier.arrive $0xFFFF  }
0x1a: {  	s13 =	simm.s32 @p1 $0x3B8;
	s22 =	simm.s32 @p1 $0x3;
	s0 =	rddreg [dreg:$0x7]  }
0x1b: {  	[tilespmem:s13], [sflag:$0x3] =	stream.linear.gather @p1 [hbm4b:s0+s19], $0x570, $0x38;
	[tilespmem:$0x19238] =	vst v63  }
0x1c: {  	_ =	swait.ge @p1 [sflag:s22], $0x570  }
0x1d: {  	s20 =	simm.s32 @!p1 $0x3;
	s23 =	simm.s32 @!p1 $0x0;
	[sflag:s22] =	ssyncset.done @p1 $0x0  }
0x1e: {  	s13 =	simm.s32 @!p1 $0x3B8;
	s0 =	rddreg [dreg:$0x6];
	[sflag:s22] =	ssyncadd.s32 @p1 $0xFFFFFA90  }
0x1f: {  	[tilespmem:s13], [sflag:$0x3] =	stream.linear.gather @!p1 [hbm4b:s0+s23], $0x620, $0x38;
	[tilespmem:$0x19238] =	vst v63  }
0x20: {  	_ =	swait.ge @!p1 [sflag:s20], $0x620  }
0x21: {  	[sflag:s20] =	ssyncset.done @!p1 $0x0  }
0x22: {  	[sflag:s20] =	ssyncadd.s32 @!p1 $0xFFFFF9E0  }
0x23: {  	[tilespmem:s6], [sflag:$0x1] =	stream.indirect.gather [spmem:s1], $0x80, s21, s10, $0xb8;
	[tilespmem:$0x19238] =	vst v63  }
0x24: {  	_ = 	snop  }
0x25: {  	[tilespmem:s11], [sflag:$0x2] =	stream.indirect.gather [spmem:s1], $0x80, s24, s10, $0xb8;
	[tilespmem:$0x19238] =	vst v63  }
0x26: {  	_ =	swait.ge [sflag:s8], $0xC400  }
0x27: {  	[sflag:s8] =	ssyncset.done $0x0  }
0x28: {  	s26 =	rddreg [dreg:$0x8];
	[sflag:s8] =	ssyncadd.s32 $0xFFFF3C00  }
0x29: {  	[hbm4b:s26+s2] =	stream.linear.scatter [tilespmem:s6], [sflag:$0x3], $0xC400, $0x38;
	[tilespmem:$0x19238] =	vst v63  }
0x2a: {  	_ =	swait.ge [sflag:s7], $0xC400  }
0x2b: {  	[sflag:s7] =	ssyncset.done $0x0  }
0x2c: {  	[sflag:s7] =	ssyncadd.s32 $0xFFFF3C00  }
0x2d: {  	[tilespmem:s6], [sflag:$0x1] =	stream.indirect.gather [spmem:s1], $0x80, s25, s10, $0xb8;
	[tilespmem:$0x19238] =	vst v63  }
0x2e: {  	_ =	swait.ge [sflag:s12], $0xC400  }
0x2f: {  	[sflag:s12] =	ssyncset.done $0x0  }
0x30: {  	[sflag:s12] =	ssyncadd.s32 $0xFFFF3C00  }
0x31: {  	[hbm4b:s9+s2] =	stream.linear.scatter [tilespmem:s11], [sflag:$0x3], $0xC400, $0x38;
	[tilespmem:$0x19238] =	vst v63  }
0x32: {  	_ =	swait.ge [sflag:s7], $0xC400  }
0x33: {  	s28 =	simm.s32 @p1 $0x850;
	[sflag:s7] =	ssyncset.done $0x0  }
0x34: {  	s26 =	simm.s32 @p1 $0xD8;
	s25 =	simm.s32 @p1 $0xCE38;
	[sflag:s7] =	ssyncadd.s32 $0xFFFF3C00  }
0x35: {  	[tilespmem:s25], [sflag:$0x2] =	stream.indirect.gather @p1 [spmem:s1], $0x80, s28, s26, $0xb8;
	[tilespmem:$0x19238] =	vst v63  }
0x36: {  	s29 =	simm.s32 @!p1 $0x188;
	s30 =	simm.s32 @!p1 $0x850;
	s31 =	simm.s32 @!p1 $0xCE38  }
0x37: {  	[tilespmem:s31], [sflag:$0x2] =	stream.indirect.gather @!p1 [spmem:s1], $0x80, s30, s29, $0xb8;
	[tilespmem:$0x19238] =	vst v63  }
0x38: {  	_ =	swait.ge [sflag:s8], $0xC400  }
0x39: {  	[sflag:s8] =	ssyncset.done $0x0  }
0x3a: {  	[sflag:s8] =	ssyncadd.s32 $0xFFFF3C00  }
0x3b: {  	[hbm4b:s5+s2] =	stream.linear.scatter [tilespmem:s6], [sflag:$0x3], $0xC400, $0x38;
	[tilespmem:$0x19238] =	vst v63  }
0x3c: {  	_ =	swait.ge [sflag:s7], $0xC400  }
0x3d: {  	[sflag:s7] =	ssyncset.done $0x0  }
0x3e: {  	s0 =	simm.s32 @p1 $0x2;
	[sflag:s7] =	ssyncadd.s32 $0xFFFF3C00  }
0x3f: {  	_ =	swait.ge @p1 [sflag:s0], $0x6C00  }
0x40: {  	[sflag:s0] =	ssyncset.done @p1 $0x0  }
0x41: {  	[sflag:s0] =	ssyncadd.s32 @p1 $0xFFFF9400  }
0x42: {  	[hbm4b:s4+s19] =	stream.linear.scatter @p1 [tilespmem:s25], [sflag:$0x3], $0x6C00, $0x38;
	[tilespmem:$0x19238] =	vst v63  }
0x43: {  	_ =	swait.ge @p1 [sflag:s22], $0x6C00  }
0x44: {  	[sflag:s22] =	ssyncset.done @p1 $0x0  }
0x45: {  	s14 =	sadd.s32 $0xFFFFFFFF, s14;
	s13 =	simm.s32 @!p1 $0x2;
	[sflag:s22] =	ssyncadd.s32 @p1 $0xFFFF9400  }
0x46: {  	p3 =	sne.s32 s14, $0x0;
	_ =	swait.ge @!p1 [sflag:s13], $0xC400  }
.Ltmp1:
0x47: {  	[sflag:s13] =	ssyncset.done @!p1 $0x0;
	(pc) =	sbr.rel @!p3 .LBB2_3-.Ltmp1, $4  }
0x48: {  	[sflag:s13] =	ssyncadd.s32 @!p1 $0xFFFF3C00  }
0x49: {  	[hbm4b:s3+s23] =	stream.linear.scatter @!p1 [tilespmem:s31], [sflag:$0x3], $0xC400, $0x38;
	[tilespmem:$0x19238] =	vst v63  }
0x4a: {  	p2 =	por $0x1, $0x1;
	s21 =	simm.s32 $0x3B8;
	_ =	swait.ge @!p1 [sflag:s20], $0xC400  }
0x4b: {  	s24 =	simm.s32 $0x540;
	s15 =	rddreg [dreg:$0x5];
	[sflag:s20] =	ssyncset.done @!p1 $0x0  }
.LBB2_4:
0x4c: {  	[sflag:s20] =	ssyncadd.s32 @!p1 $0xFFFF3C00;
	s17 =	simm.s32 @!p0 $0x1C03  }
0x4d: {  	[spmem:s16], [sflag:s17] =	dma.local @!p0 [hbm:s15], $0x770  }
0x4e: {  	_ =	swait.ge @!p0 [sflag:s18], $0x770  }
0x4f: {  	[sflag:s18] =	ssyncset.done @!p0 $0x0  }
0x50: {  	[sflag:s18] =	ssyncadd.s32 @!p0 $0xFFFFF890  }
0x51: {  	[bflag:$0x0] =	sbarrier.arrive $0xFFFF  }
0x52: {  	s17 =	simm.s32 @p1 $0x3B8;
	s15 =	rddreg [dreg:$0x7]  }
0x53: {  	[tilespmem:s17], [sflag:$0x3] =	stream.linear.gather @p1 [hbm4b:s15+s19], $0x570, $0x38;
	[tilespmem:$0x19238] =	vst v63  }
0x54: {  	_ =	swait.ge @p1 [sflag:s22], $0x570  }
0x55: {  	[sflag:s22] =	ssyncset.done @p1 $0x0  }
0x56: {  	s17 =	simm.s32 @!p1 $0x3B8;
	s15 =	rddreg [dreg:$0x6];
	[sflag:s22] =	ssyncadd.s32 @p1 $0xFFFFFA90  }
0x57: {  	[tilespmem:s17], [sflag:$0x3] =	stream.linear.gather @!p1 [hbm4b:s15+s23], $0x620, $0x38;
	[tilespmem:$0x19238] =	vst v63  }
0x58: {  	_ =	swait.ge @!p1 [sflag:s20], $0x620  }
0x59: {  	[sflag:s20] =	ssyncset.done @!p1 $0x0  }
0x5a: {  	[sflag:s20] =	ssyncadd.s32 @!p1 $0xFFFFF9E0  }
0x5b: {  	[tilespmem:s6], [sflag:$0x1] =	stream.indirect.gather [spmem:s1], $0x80, s21, s10, $0xb8;
	[tilespmem:$0x19238] =	vst v63  }
0x5c: {  	_ = 	snop  }
0x5d: {  	[tilespmem:s11], [sflag:$0x2] =	stream.indirect.gather [spmem:s1], $0x80, s24, s10, $0xb8;
	[tilespmem:$0x19238] =	vst v63  }
0x5e: {  	_ =	swait.ge [sflag:s8], $0xC400  }
0x5f: {  	[sflag:s8] =	ssyncset.done $0x0  }
0x60: {  	s17 =	rddreg [dreg:$0x8];
	[sflag:s8] =	ssyncadd.s32 $0xFFFF3C00  }
0x61: {  	[hbm4b:s17+s2] =	stream.linear.scatter [tilespmem:s6], [sflag:$0x3], $0xC400, $0x38;
	[tilespmem:$0x19238] =	vst v63  }
0x62: {  	_ =	swait.ge [sflag:s7], $0xC400  }
0x63: {  	[sflag:s7] =	ssyncset.done $0x0  }
0x64: {  	s17 =	simm.s32 $0x6C8;
	[sflag:s7] =	ssyncadd.s32 $0xFFFF3C00  }
0x65: {  	[tilespmem:s6], [sflag:$0x1] =	stream.indirect.gather [spmem:s1], $0x80, s17, s10, $0xb8;
	[tilespmem:$0x19238] =	vst v63  }
0x66: {  	_ =	swait.ge [sflag:s12], $0xC400  }
0x67: {  	[sflag:s12] =	ssyncset.done $0x0  }
0x68: {  	[sflag:s12] =	ssyncadd.s32 $0xFFFF3C00  }
0x69: {  	[hbm4b:s9+s2] =	stream.linear.scatter [tilespmem:s11], [sflag:$0x3], $0xC400, $0x38;
	[tilespmem:$0x19238] =	vst v63  }
0x6a: {  	_ =	swait.ge [sflag:s7], $0xC400  }
0x6b: {  	[sflag:s7] =	ssyncset.done $0x0  }
0x6c: {  	[sflag:s7] =	ssyncadd.s32 $0xFFFF3C00  }
0x6d: {  	[tilespmem:s25], [sflag:$0x2] =	stream.indirect.gather @p1 [spmem:s1], $0x80, s28, s26, $0xb8;
	[tilespmem:$0x19238] =	vst v63  }
0x6e: {  	_ = 	snop  }
0x6f: {  	[tilespmem:s31], [sflag:$0x2] =	stream.indirect.gather @!p1 [spmem:s1], $0x80, s30, s29, $0xb8;
	[tilespmem:$0x19238] =	vst v63  }
0x70: {  	_ =	swait.ge [sflag:s8], $0xC400  }
0x71: {  	[sflag:s8] =	ssyncset.done $0x0  }
0x72: {  	[sflag:s8] =	ssyncadd.s32 $0xFFFF3C00  }
0x73: {  	[hbm4b:s5+s2] =	stream.linear.scatter [tilespmem:s6], [sflag:$0x3], $0xC400, $0x38;
	[tilespmem:$0x19238] =	vst v63  }
0x74: {  	_ =	swait.ge [sflag:s7], $0xC400  }
0x75: {  	[sflag:s7] =	ssyncset.done $0x0  }
0x76: {  	[sflag:s7] =	ssyncadd.s32 $0xFFFF3C00  }
0x77: {  	_ =	swait.ge @p1 [sflag:s0], $0x6C00  }
0x78: {  	[sflag:s0] =	ssyncset.done @p1 $0x0  }
0x79: {  	[sflag:s0] =	ssyncadd.s32 @p1 $0xFFFF9400  }
0x7a: {  	[hbm4b:s4+s19] =	stream.linear.scatter @p1 [tilespmem:s25], [sflag:$0x3], $0x6C00, $0x38;
	[tilespmem:$0x19238] =	vst v63  }
0x7b: {  	_ =	swait.ge @p1 [sflag:s22], $0x6C00  }
0x7c: {  	[sflag:s22] =	ssyncset.done @p1 $0x0  }
0x7d: {  	s14 =	sadd.s32 $0xFFFFFFFF, s14;
	[sflag:s22] =	ssyncadd.s32 @p1 $0xFFFF9400  }
0x7e: {  	p3 =	sne.s32 s14, $0x0;
	_ =	swait.ge @!p1 [sflag:s13], $0xC400  }
.Ltmp2:
0x7f: {  	[sflag:s13] =	ssyncset.done @!p1 $0x0;
	(pc) =	sbr.rel @p3 .LBB2_4-.Ltmp2, $4  }
0x80: {  	[sflag:s13] =	ssyncadd.s32 @!p1 $0xFFFF3C00  }
0x81: {  	[hbm4b:s3+s23] =	stream.linear.scatter @!p1 [tilespmem:s31], [sflag:$0x3], $0xC400, $0x38;
	[tilespmem:$0x19238] =	vst v63  }
0x82: {  	_ =	swait.ge @!p1 [sflag:s20], $0xC400  }
0x83: {  	s15 =	rddreg [dreg:$0x5];
	[sflag:s20] =	ssyncset.done @!p1 $0x0  }
0x84: {  	s18 =	rddreg [dreg:$0x4]  }
0x85: {  	s25 =	simm.s32 $0x6C8;
	s21 =	simm.s32 $0x3B8;
	s24 =	simm.s32 $0x540  }
.LBB2_6:
0x86: {  	p2 =	por p1, !p2  }
0x87: {  	s0 =	simm.s32 @!p0 $0x1C03;
	s13 =	simm.s32 @!p0 $0x3;
	[sflag:s20] =	ssyncadd.s32 @!p2 $0xFFFF3C00  }
0x88: {  	[spmem:s16], [sflag:s0] =	dma.local @!p0 [hbm:s15], $0x770  }
0x89: {  	_ =	swait.ge @!p0 [sflag:s13], $0x770  }
0x8a: {  	[sflag:s13] =	ssyncset.done @!p0 $0x0  }
0x8b: {  	[sflag:s13] =	ssyncadd.s32 @!p0 $0xFFFFF890  }
0x8c: {  	s14 =	simm.s32 @p1 $0x3B8;
	[bflag:$0x0] =	sbarrier.arrive $0xFFFF  }
0x8d: {  	s15 =	simm.s32 @p1 $0x3;
	s13 =	simm.s32 @p1 $0x0;
	s0 =	rddreg [dreg:$0x7]  }
0x8e: {  	[tilespmem:s14], [sflag:$0x3] =	stream.linear.gather @p1 [hbm4b:s0+s13], $0x570, $0x38;
	[tilespmem:$0x19238] =	vst v63  }
0x8f: {  	_ =	swait.ge @p1 [sflag:s15], $0x570  }
0x90: {  	s17 =	simm.s32 @!p1 $0x3B8;
	s16 =	simm.s32 @!p1 $0x0;
	[sflag:s15] =	ssyncset.done @p1 $0x0  }
0x91: {  	s14 =	simm.s32 @!p1 $0x3;
	s0 =	rddreg [dreg:$0x6];
	[sflag:s15] =	ssyncadd.s32 @p1 $0xFFFFFA90  }
0x92: {  	[tilespmem:s17], [sflag:$0x3] =	stream.linear.gather @!p1 [hbm4b:s0+s16], $0x620, $0x38;
	[tilespmem:$0x19238] =	vst v63  }
0x93: {  	_ =	swait.ge @!p1 [sflag:s14], $0x620  }
0x94: {  	[sflag:s14] =	ssyncset.done @!p1 $0x0  }
0x95: {  	[sflag:s14] =	ssyncadd.s32 @!p1 $0xFFFFF9E0  }
0x96: {  	[tilespmem:s6], [sflag:$0x1] =	stream.indirect.gather [spmem:s1], $0x80, s21, s10, $0xb8;
	[tilespmem:$0x19238] =	vst v63  }
0x97: {  	_ = 	snop  }
0x98: {  	[tilespmem:s11], [sflag:$0x2] =	stream.indirect.gather [spmem:s1], $0x80, s24, s10, $0xb8;
	[tilespmem:$0x19238] =	vst v63  }
0x99: {  	_ =	swait.ge [sflag:s8], $0xC400  }
0x9a: {  	[sflag:s8] =	ssyncset.done $0x0  }
0x9b: {  	s31 =	rddreg [dreg:$0x8];
	[sflag:s8] =	ssyncadd.s32 $0xFFFF3C00  }
0x9c: {  	[hbm4b:s31+s2] =	stream.linear.scatter [tilespmem:s6], [sflag:$0x3], $0xC400, $0x38;
	[tilespmem:$0x19238] =	vst v63  }
0x9d: {  	_ =	swait.ge [sflag:s7], $0xC400  }
0x9e: {  	[sflag:s7] =	ssyncset.done $0x0  }
0x9f: {  	[sflag:s7] =	ssyncadd.s32 $0xFFFF3C00  }
0xa0: {  	[tilespmem:s6], [sflag:$0x1] =	stream.indirect.gather [spmem:s1], $0x80, s25, s10, $0xb8;
	[tilespmem:$0x19238] =	vst v63  }
0xa1: {  	_ =	swait.ge [sflag:s12], $0xC400  }
0xa2: {  	[sflag:s12] =	ssyncset.done $0x0  }
0xa3: {  	[sflag:s12] =	ssyncadd.s32 $0xFFFF3C00  }
0xa4: {  	[hbm4b:s9+s2] =	stream.linear.scatter [tilespmem:s11], [sflag:$0x3], $0xC400, $0x38;
	[tilespmem:$0x19238] =	vst v63  }
0xa5: {  	_ =	swait.ge [sflag:s7], $0xC400  }
0xa6: {  	s0 =	simm.s32 @p1 $0xCE38;
	[sflag:s7] =	ssyncset.done $0x0  }
0xa7: {  	s10 =	simm.s32 @p1 $0x850;
	s9 =	simm.s32 @p1 $0xD8;
	[sflag:s7] =	ssyncadd.s32 $0xFFFF3C00  }
0xa8: {  	[tilespmem:s0], [sflag:$0x2] =	stream.indirect.gather @p1 [spmem:s1], $0x80, s10, s9, $0xb8;
	[tilespmem:$0x19238] =	vst v63  }
0xa9: {  	s11 =	simm.s32 @!p1 $0xCE38;
	s9 =	simm.s32 @!p1 $0x188;
	s10 =	simm.s32 @!p1 $0x850  }
0xaa: {  	[tilespmem:s11], [sflag:$0x2] =	stream.indirect.gather @!p1 [spmem:s1], $0x80, s10, s9, $0xb8;
	[tilespmem:$0x19238] =	vst v63  }
0xab: {  	_ =	swait.ge [sflag:s8], $0xC400  }
0xac: {  	[sflag:s8] =	ssyncset.done $0x0  }
0xad: {  	[sflag:s8] =	ssyncadd.s32 $0xFFFF3C00  }
0xae: {  	[hbm4b:s5+s2] =	stream.linear.scatter [tilespmem:s6], [sflag:$0x3], $0xC400, $0x38;
	[tilespmem:$0x19238] =	vst v63  }
0xaf: {  	_ =	swait.ge [sflag:s7], $0xC400  }
0xb0: {  	[sflag:s7] =	ssyncset.done $0x0  }
0xb1: {  	s1 =	simm.s32 @p1 $0x2;
	[sflag:s7] =	ssyncadd.s32 $0xFFFF3C00  }
0xb2: {  	_ =	swait.ge @p1 [sflag:s1], $0x6C00  }
0xb3: {  	[sflag:s1] =	ssyncset.done @p1 $0x0  }
0xb4: {  	[sflag:s1] =	ssyncadd.s32 @p1 $0xFFFF9400  }
0xb5: {  	[hbm4b:s4+s13] =	stream.linear.scatter @p1 [tilespmem:s0], [sflag:$0x3], $0x6C00, $0x38;
	[tilespmem:$0x19238] =	vst v63  }
0xb6: {  	_ =	swait.ge @p1 [sflag:s15], $0x6C00  }
0xb7: {  	[sflag:s15] =	ssyncset.done @p1 $0x0  }
0xb8: {  	s0 =	simm.s32 @!p1 $0x2;
	[sflag:s15] =	ssyncadd.s32 @p1 $0xFFFF9400  }
0xb9: {  	_ =	swait.ge @!p1 [sflag:s0], $0xC400  }
0xba: {  	[sflag:s0] =	ssyncset.done @!p1 $0x0  }
0xbb: {  	[sflag:s0] =	ssyncadd.s32 @!p1 $0xFFFF3C00  }
0xbc: {  	[hbm4b:s3+s16] =	stream.linear.scatter @!p1 [tilespmem:s11], [sflag:$0x3], $0xC400, $0x38;
	[tilespmem:$0x19238] =	vst v63  }
0xbd: {  	_ =	swait.ge @!p1 [sflag:s14], $0xC400  }
0xbe: {  	[sflag:s14] =	ssyncset.done @!p1 $0x0  }
0xbf: {  	[sflag:s14] =	ssyncadd.s32 @!p1 $0xFFFF3C00  }
0xc0: {  	_ =	sfence.sel $0x180000  }
0xc1: {  	[bflag:$0x0] =	sbarrier.arrive $0xFFFF  }
0xc2: {  	_ =	strace $0x90000047  }
0xc3: {  	s0 =	sadd.s32 @!p0 $0x100000, s18;
	[bflag:$0x2] =	sbarrier.arrive $0xFFFF  }
0xc4: {  	[sflag:s0] =	ssyncadd.tile.s32 @!p0 $0x1;
	_ =	shalt  }
.LBB2_1:
.Ltmp3:
0xc5: {  	(pc) =	sbr.rel .LBB2_6-.Ltmp3, $2  }
0xc6: {  	_ =	sdelay $0x2  }
0xc7: {  	_ = 	snop  }
.LBB2_3:
.Ltmp4:
0xc8: {  	(pc) =	sbr.rel .LBB2_6-.Ltmp4, $3  }
0xc9: {  	_ =	sdelay $0x1  }
0xca: {  	s18 =	rddreg [dreg:$0x4]  }
0xcb: {  	s25 =	simm.s32 $0x6C8;
	s21 =	simm.s32 $0x3B8;
	s24 =	simm.s32 $0x540  }
.Lfunc_end2:
_tile_overlayer_lowered:
.L_overlay_start_2:
0xcc: {  	(tag) =	ssettag $0x2  }
0xcd: {  	s0 =	rddreg [dreg:$0x0];
	s2 =	stileid.u32  }
0xce: {  	s1 =	rddreg [dreg:$0x1];
	p0 =	sne.s32 s2, $0x0  }
0xcf: {  	s3 =	rddreg [dreg:$0x2];
	[bflag:$0x3] =	sbarrier.arrive $0xFFFF;
	s2 =	simm.s32 @!p0 $0x1C03  }
0xd0: {  	[timem:s3], [sflag:s2] =	dma.local @!p0 [hbm:s0], s1  }
0xd1: {  	s0 =	simm.s32 @!p0 $0x3  }
0xd2: {  	_ =	swait.ge @!p0 [sflag:s0], s1  }
0xd3: {  	s1 =	ssub.s32 @!p0 $0x0, s1;
	[sflag:s0] =	ssyncset.done @!p0 $0x0  }
0xd4: {  	[sflag:s0] =	ssyncadd.s32 @!p0 s1  }
0xd5: {  	[bflag:$0x3] =	sbarrier.arrive $0xFFFF  }
0xd6: {  	_ =	shalt  }

</sc_bundles>
